<compile_context>
chip_gen: v7x
topology: tpu7x:2x2x1
jax: 0.10.2.dev20260603
libtpu: 0.0.44.dev20260713+nightly
codegen_flags: <defaults>
</compile_context>

<pallas_src>
import jax
import jax.numpy as jnp
from jax import lax
from jax.experimental import pallas as pl
from jax.experimental.pallas import tpu as pltpu
from jax.experimental.pallas import tpu_sc as plsc

B = 1024
M = 8192
NWH = 4
NRH = 8
NC = 2
NS = 16
NWORK = NC * NS
L = 16

B_SC = 256
B_TC = B - B_SC
BPW = B_SC // NWORK
C = 4096
NCHUNK = M // C
NIT = BPW * NCHUNK
BT = 32


def _sc_usage_body(ww_hbm, rw_hbm, u_hbm, fg_hbm, out_hbm,
                   fg_v, ww_v0, ww_v1, rw_v0, rw_v1, u_v0, u_v1, o_v0, o_v1,
                   sin0, sin1, sout0, sout1):
    wid = lax.axis_index("s") * NC + lax.axis_index("c")
    base_b = wid * BPW
    ww_bufs = (ww_v0, ww_v1)
    rw_bufs = (rw_v0, rw_v1)
    u_bufs = (u_v0, u_v1)
    o_bufs = (o_v0, o_v1)
    sin = (sin0, sin1)
    sout = (sout0, sout1)

    pltpu.sync_copy(fg_hbm.at[pl.ds(base_b * NRH * L, BPW * NRH * L)], fg_v)

    def issue_loads(cur, slot):
        b = base_b + cur // NCHUNK
        c0 = (cur % NCHUNK) * C
        pltpu.async_copy(ww_hbm.at[b, :, pl.ds(c0, C)], ww_bufs[slot], sin[slot])
        pltpu.async_copy(rw_hbm.at[b, :, pl.ds(c0, C)], rw_bufs[slot], sin[slot])
        pltpu.async_copy(u_hbm.at[b, pl.ds(c0, C)], u_bufs[slot], sin[slot])

    def wait_loads(slot):
        pltpu.make_async_copy(ww_hbm.at[0, :, pl.ds(0, C)], ww_bufs[slot], sin[slot]).wait()
        pltpu.make_async_copy(rw_hbm.at[0, :, pl.ds(0, C)], rw_bufs[slot], sin[slot]).wait()
        pltpu.make_async_copy(u_hbm.at[0, pl.ds(0, C)], u_bufs[slot], sin[slot]).wait()

    def wait_store(slot):
        pltpu.make_async_copy(o_bufs[slot], out_hbm.at[0, pl.ds(0, C)], sout[slot]).wait()

    def compute(slot, b_local):
        fgbase = b_local * (NRH * L)
        fgv = [fg_v[pl.ds(fgbase + r * L, L)] for r in range(NRH)]
        wwb, rwb, ub, ob = ww_bufs[slot], rw_bufs[slot], u_bufs[slot], o_bufs[slot]

        @plsc.parallel_loop(0, C // L, 1, unroll=8)
        def body(j):
            s = pl.ds(j * L, L)
            p = (1.0 - wwb[0, s]) * (1.0 - wwb[1, s])
            p = p * ((1.0 - wwb[2, s]) * (1.0 - wwb[3, s]))
            up = 1.0 - p * (1.0 - ub[s])
            phi = 1.0 - fgv[0] * rwb[0, s]
            for r in range(1, NRH):
                phi = phi * (1.0 - fgv[r] * rwb[r, s])
            ob[s] = up * phi

    issue_loads(0, 0)

    def outer(bi, carry):
        for s in (0, 1):
            cur = bi * NCHUNK + s

            @pl.when(cur + 1 < NIT)
            def _():
                issue_loads(cur + 1, 1 - s)

            wait_loads(s)

            @pl.when(cur >= 2)
            def _():
                wait_store(s)

            compute(s, bi)
            pltpu.async_copy(
                o_bufs[s], out_hbm.at[base_b + bi, pl.ds(s * C, C)], sout[s])
        return carry

    lax.fori_loop(0, BPW, outer, 0)
    wait_store(0)
    wait_store(1)


def _sc_call(ww, rw, u, fgb):
    mesh = plsc.VectorSubcoreMesh(
        core_axis_name="c", subcore_axis_name="s", num_cores=NC, num_subcores=NS)
    f = pl.kernel(
        _sc_usage_body,
        out_type=jax.ShapeDtypeStruct((B_SC, M), jnp.float32),
        mesh=mesh,
        scratch_types=[
            pltpu.VMEM((BPW * NRH * L,), jnp.float32),
            pltpu.VMEM((NWH, C), jnp.float32), pltpu.VMEM((NWH, C), jnp.float32),
            pltpu.VMEM((NRH, C), jnp.float32), pltpu.VMEM((NRH, C), jnp.float32),
            pltpu.VMEM((C,), jnp.float32), pltpu.VMEM((C,), jnp.float32),
            pltpu.VMEM((C,), jnp.float32), pltpu.VMEM((C,), jnp.float32),
            pltpu.SemaphoreType.DMA, pltpu.SemaphoreType.DMA,
            pltpu.SemaphoreType.DMA, pltpu.SemaphoreType.DMA,
        ],
    )
    return f(ww, rw, u, fgb)


def _tc_body(ww_ref, rw_ref, u_ref, fg_ref, o_ref):
    p = (1.0 - ww_ref[:, 0, :]) * (1.0 - ww_ref[:, 1, :])
    p = p * ((1.0 - ww_ref[:, 2, :]) * (1.0 - ww_ref[:, 3, :]))
    up = 1.0 - p * (1.0 - u_ref[...])
    phi = None
    for r in range(NRH):
        t = fg_ref[:, r, :]
        fgm = jnp.concatenate([t] * (M // 128), axis=1)
        term = 1.0 - fgm * rw_ref[:, r, :]
        phi = term if phi is None else phi * term
    o_ref[...] = up * phi


def _tc_call(ww, rw, u, fgl):
    off = B_SC // BT
    return pl.pallas_call(
        _tc_body,
        grid=(B_TC // BT,),
        in_specs=[
            pl.BlockSpec((BT, NWH, M), lambda i: (i + off, 0, 0)),
            pl.BlockSpec((BT, NRH, M), lambda i: (i + off, 0, 0)),
            pl.BlockSpec((BT, M), lambda i: (i + off, 0)),
            pl.BlockSpec((BT, NRH, 128), lambda i: (i + off, 0, 0)),
        ],
        out_specs=pl.BlockSpec((BT, M), lambda i: (i + off, 0)),
        out_shape=jax.ShapeDtypeStruct((B, M), jnp.float32),
    )(ww, rw, u, fgl)


def kernel(inputs, prev_write_weight, prev_read_weight, prev_usage, free_gate):
    del inputs
    fgb = jnp.broadcast_to(
        free_gate[:B_SC, :, None], (B_SC, NRH, L)).reshape(B_SC * NRH * L)
    fgl = jnp.broadcast_to(free_gate[:, :, None], (B, NRH, 128))
    sc_out = _sc_call(prev_write_weight, prev_read_weight, prev_usage, fgb)
    tc_out = _tc_call(prev_write_weight, prev_read_weight, prev_usage, fgl)
    return lax.dynamic_update_slice(tc_out, sc_out, (0, 0))

# --- scband reference (transcript-rebuilt; emitter-appended) ---
"""Pipeline reference for scband-memory-59777354826390 (READ-ONLY COPY).

The authoritative reference and input builder live on the scoring server;
editing this copy changes nothing except your own understanding.
"""

import jax, jax.numpy as jnp
import numpy as np

B = 1024
M = 8192
NUM_WRITES = 4
NUM_READS = 8
D_IN = 256


def setup_inputs(seed: int = 0) -> dict:
    key = jax.random.key(seed)
    k1, k2, k3, k4, k5 = jax.random.split(key, 5)
    inputs = jax.random.normal(k1, (B, D_IN), dtype=jnp.float32)
    prev_write_weight = jax.random.uniform(k2, (B, NUM_WRITES, M), dtype=jnp.float32)
    prev_read_weight = jax.random.uniform(k3, (B, NUM_READS, M), dtype=jnp.float32)
    prev_usage = jax.random.uniform(k4, (B, M), dtype=jnp.float32)
    free_gate = jax.random.uniform(k5, (B, NUM_READS), dtype=jnp.float32)
    return {
        "inputs": inputs,
        "prev_write_weight": prev_write_weight,
        "prev_read_weight": prev_read_weight,
        "prev_usage": prev_usage,
        "free_gate": free_gate,
    }


def reference(inputs, prev_write_weight, prev_read_weight, prev_usage, free_gate):
    # Freeness.call: usage update of the DNC memory.
    # write weights are treated as constants (stop_gradient in the original).
    ww = jax.lax.stop_gradient(prev_write_weight)
    # _usage_after_write: usage increases toward 1 where we wrote.
    # effective write weight over all write heads: 1 - prod_w(1 - w_w)
    write_weights = 1.0 - jnp.prod(1.0 - ww, axis=1)  # [B, M]
    usage = prev_usage + (1.0 - prev_usage) * write_weights
    # _usage_after_read: usage decreases where read heads freed memory.
    free_read_weights = free_gate[:, :, None] * prev_read_weight  # [B, NR, M]
    phi = jnp.prod(1.0 - free_read_weights, axis=1)  # [B, M]
    usage = usage * phi
    return usage

if __name__ == "__main__":
    import jax
    _d = setup_inputs()
    print(jax.jit(kernel)(*tuple(_d.values())))

</pallas_src>

<mosaic_0001>
#map = affine_map<(d0, d1) -> (0, 0, 0)>
#map1 = affine_map<(d0, d1) -> (0, 0)>
#map2 = affine_map<(d0, d1) -> (0)>
module attributes {stable_mosaic.version = 14 : i64} {
  func.func @_sc_usage_body(%arg0: i32, %arg1: i32, %arg2: memref<1024x4x8192xf32, #tpu.memory_space<hbm>>, %arg3: memref<1024x8x8192xf32, #tpu.memory_space<hbm>>, %arg4: memref<1024x8192xf32, #tpu.memory_space<hbm>>, %arg5: memref<32768xf32, #tpu.memory_space<hbm>>, %arg6: memref<256x8192xf32, #tpu.memory_space<hbm>>, %arg7: memref<1024xf32, #tpu.memory_space<vmem>>, %arg8: memref<4x4096xf32, #tpu.memory_space<vmem>>, %arg9: memref<4x4096xf32, #tpu.memory_space<vmem>>, %arg10: memref<8x4096xf32, #tpu.memory_space<vmem>>, %arg11: memref<8x4096xf32, #tpu.memory_space<vmem>>, %arg12: memref<4096xf32, #tpu.memory_space<vmem>>, %arg13: memref<4096xf32, #tpu.memory_space<vmem>>, %arg14: memref<4096xf32, #tpu.memory_space<vmem>>, %arg15: memref<4096xf32, #tpu.memory_space<vmem>>, %arg16: memref<!tpu.dma_semaphore, #tpu.memory_space<semaphore_mem>>, %arg17: memref<!tpu.dma_semaphore, #tpu.memory_space<semaphore_mem>>, %arg18: memref<!tpu.dma_semaphore, #tpu.memory_space<semaphore_mem>>, %arg19: memref<!tpu.dma_semaphore, #tpu.memory_space<semaphore_mem>>) attributes {dimension_semantics = [#tpu.dimension_semantics<core_parallel>, #tpu.dimension_semantics<subcore_parallel>], iteration_bounds = array<i64: 2, 16>, scalar_prefetch = 0 : i64, scratch_operands = 13 : i64, tpu.core_type = #tpu.core_type<sc_vector_subcore>, window_params = [{transform_indices = #map}, {transform_indices = #map}, {transform_indices = #map1}, {transform_indices = #map2}, {transform_indices = #map1}]} {
    %mul3A = arith.constant 2 : i32
    %mul3A_0 = arith.muli %arg1, %mul3A : i32
    %add3A = arith.addi %mul3A_0, %arg0 : i32
    %mul3A_1 = arith.constant 8 : i32
    %mul3A_2 = arith.muli %add3A, %mul3A_1 : i32
    %mul3A_3 = arith.constant 8 : i32
    %mul3A_4 = arith.muli %mul3A_2, %mul3A_3 : i32
    %mul3A_5 = arith.constant 16 : i32
    %mul3A_6 = arith.muli %mul3A_4, %mul3A_5 : i32
    "tpu.region"() ({
      %run_scoped3A = tpu.sem_alloc : memref<!tpu.dma_semaphore, #tpu.memory_space<semaphore_mem>>
      %dma_start3A_48 = tpu.memref_slice %arg5[%mul3A_6] : memref<32768xf32, #tpu.memory_space<hbm>> -> memref<1024xf32, #tpu.memory_space<hbm>>
      %dma_start3A_49 = tpu.memref_slice %arg5[%mul3A_6] : memref<32768xf32, #tpu.memory_space<hbm>> -> memref<1024xf32, #tpu.memory_space<hbm>>
      tpu.enqueue_dma source(%dma_start3A_49 : memref<1024xf32, #tpu.memory_space<hbm>>) target(%arg7 : memref<1024xf32, #tpu.memory_space<vmem>>) target_semaphore(%run_scoped3A : memref<!tpu.dma_semaphore, #tpu.memory_space<semaphore_mem>>)
      %dma_wait3A_50 = tpu.memref_slice %arg5[%mul3A_6] : memref<32768xf32, #tpu.memory_space<hbm>> -> memref<1024xf32, #tpu.memory_space<hbm>>
      %dma_wait3A_51 = tpu.memref_slice %arg5[%mul3A_6] : memref<32768xf32, #tpu.memory_space<hbm>> -> memref<1024xf32, #tpu.memory_space<hbm>>
      tpu.wait_dma2 semaphore(%run_scoped3A : memref<!tpu.dma_semaphore, #tpu.memory_space<semaphore_mem>>) src(%dma_wait3A_51 : memref<1024xf32, #tpu.memory_space<hbm>>) dst(%arg7 : memref<1024xf32, #tpu.memory_space<vmem>>)
      tpu.yield
    }) : () -> ()
    %add3A_7 = arith.constant 0 : i32
    %add3A_8 = arith.addi %mul3A_2, %add3A_7 : i32
    %dma_start3A = arith.constant 0 : i32
    %dma_start3A_9 = arith.constant 0 : i32
    %dma_start3A_10 = tpu.memref_slice %arg2[%add3A_8, %dma_start3A, %dma_start3A_9] : memref<1024x4x8192xf32, #tpu.memory_space<hbm>> -> memref<1x4x4096xf32, #tpu.memory_space<hbm>>
    %dma_start3A_11 = tpu.memref_squeeze %dma_start3A_10 : memref<1x4x4096xf32, #tpu.memory_space<hbm>> -> memref<4x4096xf32, #tpu.memory_space<hbm>>
    %dma_start3A_12 = arith.constant 0 : i32
    %dma_start3A_13 = arith.constant 0 : i32
    %dma_start3A_14 = tpu.memref_slice %arg2[%add3A_8, %dma_start3A_12, %dma_start3A_13] : memref<1024x4x8192xf32, #tpu.memory_space<hbm>> -> memref<1x4x4096xf32, #tpu.memory_space<hbm>>
    %dma_start3A_15 = tpu.memref_squeeze %dma_start3A_14 : memref<1x4x4096xf32, #tpu.memory_space<hbm>> -> memref<4x4096xf32, #tpu.memory_space<hbm>>
    tpu.enqueue_dma source(%dma_start3A_15 : memref<4x4096xf32, #tpu.memory_space<hbm>>) target(%arg8 : memref<4x4096xf32, #tpu.memory_space<vmem>>) target_semaphore(%arg16 : memref<!tpu.dma_semaphore, #tpu.memory_space<semaphore_mem>>)
    %dma_start3A_16 = arith.constant 0 : i32
    %dma_start3A_17 = arith.constant 0 : i32
    %dma_start3A_18 = tpu.memref_slice %arg3[%add3A_8, %dma_start3A_16, %dma_start3A_17] : memref<1024x8x8192xf32, #tpu.memory_space<hbm>> -> memref<1x8x4096xf32, #tpu.memory_space<hbm>>
    %dma_start3A_19 = tpu.memref_squeeze %dma_start3A_18 : memref<1x8x4096xf32, #tpu.memory_space<hbm>> -> memref<8x4096xf32, #tpu.memory_space<hbm>>
    %dma_start3A_20 = arith.constant 0 : i32
    %dma_start3A_21 = arith.constant 0 : i32
    %dma_start3A_22 = tpu.memref_slice %arg3[%add3A_8, %dma_start3A_20, %dma_start3A_21] : memref<1024x8x8192xf32, #tpu.memory_space<hbm>> -> memref<1x8x4096xf32, #tpu.memory_space<hbm>>
    %dma_start3A_23 = tpu.memref_squeeze %dma_start3A_22 : memref<1x8x4096xf32, #tpu.memory_space<hbm>> -> memref<8x4096xf32, #tpu.memory_space<hbm>>
    tpu.enqueue_dma source(%dma_start3A_23 : memref<8x4096xf32, #tpu.memory_space<hbm>>) target(%arg10 : memref<8x4096xf32, #tpu.memory_space<vmem>>) target_semaphore(%arg16 : memref<!tpu.dma_semaphore, #tpu.memory_space<semaphore_mem>>)
    %dma_start3A_24 = arith.constant 0 : i32
    %dma_start3A_25 = tpu.memref_slice %arg4[%add3A_8, %dma_start3A_24] : memref<1024x8192xf32, #tpu.memory_space<hbm>> -> memref<1x4096xf32, #tpu.memory_space<hbm>>
    %dma_start3A_26 = tpu.memref_squeeze %dma_start3A_25 : memref<1x4096xf32, #tpu.memory_space<hbm>> -> memref<4096xf32, #tpu.memory_space<hbm>>
    %dma_start3A_27 = arith.constant 0 : i32
    %dma_start3A_28 = tpu.memref_slice %arg4[%add3A_8, %dma_start3A_27] : memref<1024x8192xf32, #tpu.memory_space<hbm>> -> memref<1x4096xf32, #tpu.memory_space<hbm>>
    %dma_start3A_29 = tpu.memref_squeeze %dma_start3A_28 : memref<1x4096xf32, #tpu.memory_space<hbm>> -> memref<4096xf32, #tpu.memory_space<hbm>>
    tpu.enqueue_dma source(%dma_start3A_29 : memref<4096xf32, #tpu.memory_space<hbm>>) target(%arg12 : memref<4096xf32, #tpu.memory_space<vmem>>) target_semaphore(%arg16 : memref<!tpu.dma_semaphore, #tpu.memory_space<semaphore_mem>>)
    %scan3A = arith.constant 0 : i32
    %scan3A_30 = arith.constant 0 : i32
    %scan3A_31 = arith.constant 8 : i32
    %scan3A_32 = arith.addi %scan3A_30, %scan3A_31 : i32
    %scan3A_33 = arith.constant 1 : i32
    scf.for %scan3A_48 = %scan3A_30 to %scan3A_32 step %scan3A_33  : i32 {
      %mul3A_49 = arith.constant 2 : i32
      %mul3A_50 = arith.muli %scan3A_48, %mul3A_49 : i32
      %add3A_51 = arith.constant 0 : i32
      %add3A_52 = arith.addi %mul3A_50, %add3A_51 : i32
      %add3A_53 = arith.constant 1 : i32
      %add3A_54 = arith.addi %add3A_52, %add3A_53 : i32
      %lt3A = arith.constant 16 : i32
      %lt3A_55 = arith.cmpi slt, %add3A_54, %lt3A : i32
      %convert_element_type3A = arith.extui %lt3A_55 : i1 to i32
      %cond3A = arith.constant 0 : i32
      %cond3A_56 = arith.cmpi ne, %convert_element_type3A, %cond3A : i32
      scf.if %cond3A_56 {
        %add3A_229 = arith.constant 1 : i32
        %add3A_230 = arith.addi %add3A_52, %add3A_229 : i32
        %jit3A = arith.constant 2 : i32
        %div3A = arith.divsi %add3A_230, %jit3A : i32
        %sign3A = arith.constant 0 : i32
        %sign3A_231 = arith.cmpi sgt, %add3A_230, %sign3A : i32
        %sign3A_232 = arith.extui %sign3A_231 : i1 to i32
        %sign3A_233 = arith.constant 0 : i32
        %sign3A_234 = arith.cmpi slt, %add3A_230, %sign3A_233 : i32
        %sign3A_235 = arith.extui %sign3A_234 : i1 to i32
        %sign3A_236 = arith.subi %sign3A_232, %sign3A_235 : i32
        %sign3A_237 = arith.constant 0 : i32
        %sign3A_238 = arith.cmpi sgt, %jit3A, %sign3A_237 : i32
        %sign3A_239 = arith.extui %sign3A_238 : i1 to i32
        %sign3A_240 = arith.constant 0 : i32
        %sign3A_241 = arith.cmpi slt, %jit3A, %sign3A_240 : i32
        %sign3A_242 = arith.extui %sign3A_241 : i1 to i32
        %sign3A_243 = arith.subi %sign3A_239, %sign3A_242 : i32
        %ne3A = arith.cmpi ne, %sign3A_236, %sign3A_243 : i32
        %rem3A = arith.remsi %add3A_230, %jit3A : i32
        %ne3A_244 = arith.constant 0 : i32
        %ne3A_245 = arith.cmpi ne, %rem3A, %ne3A_244 : i32
        %and3A = arith.andi %ne3A, %ne3A_245 : i1
        %sub3A = arith.constant 1 : i32
        %sub3A_246 = arith.subi %div3A, %sub3A : i32
        %select_n3A = arith.select %and3A, %sub3A_246, %div3A : i32
        %add3A_247 = arith.addi %mul3A_2, %select_n3A : i32
        %jit3A_248 = arith.constant 2 : i32
        %eq3A = arith.constant 0 : i32
        %eq3A_249 = arith.cmpi eq, %jit3A_248, %eq3A : i32
        %jit3A_250 = arith.constant 1 : i32
        %select_n3A_251 = arith.select %eq3A_249, %jit3A_250, %jit3A_248 : i32
        %rem3A_252 = arith.remsi %add3A_230, %select_n3A_251 : i32
        %ne3A_253 = arith.constant 0 : i32
        %ne3A_254 = arith.cmpi ne, %rem3A_252, %ne3A_253 : i32
        %lt3A_255 = arith.constant 0 : i32
        %lt3A_256 = arith.cmpi slt, %rem3A_252, %lt3A_255 : i32
        %lt3A_257 = arith.constant 0 : i32
        %lt3A_258 = arith.cmpi slt, %select_n3A_251, %lt3A_257 : i32
        %ne3A_259 = arith.xori %lt3A_256, %lt3A_258 : i1
        %and3A_260 = arith.andi %ne3A_259, %ne3A_254 : i1
        %add3A_261 = arith.addi %rem3A_252, %select_n3A_251 : i32
        %select_n3A_262 = arith.select %and3A_260, %add3A_261, %rem3A_252 : i32
        %mul3A_263 = arith.constant 4096 : i32
        %mul3A_264 = arith.muli %select_n3A_262, %mul3A_263 : i32
        %dma_start3A_265 = arith.constant 0 : i32
        %dma_start3A_266 = tpu.memref_slice %arg2[%add3A_247, %dma_start3A_265, %mul3A_264] : memref<1024x4x8192xf32, #tpu.memory_space<hbm>> -> memref<1x4x4096xf32, #tpu.memory_space<hbm>>
        %dma_start3A_267 = tpu.memref_squeeze %dma_start3A_266 : memref<1x4x4096xf32, #tpu.memory_space<hbm>> -> memref<4x4096xf32, #tpu.memory_space<hbm>>
        %dma_start3A_268 = arith.constant 0 : i32
        %dma_start3A_269 = tpu.memref_slice %arg2[%add3A_247, %dma_start3A_268, %mul3A_264] : memref<1024x4x8192xf32, #tpu.memory_space<hbm>> -> memref<1x4x4096xf32, #tpu.memory_space<hbm>>
        %dma_start3A_270 = tpu.memref_squeeze %dma_start3A_269 : memref<1x4x4096xf32, #tpu.memory_space<hbm>> -> memref<4x4096xf32, #tpu.memory_space<hbm>>
        tpu.enqueue_dma source(%dma_start3A_270 : memref<4x4096xf32, #tpu.memory_space<hbm>>) target(%arg9 : memref<4x4096xf32, #tpu.memory_space<vmem>>) target_semaphore(%arg17 : memref<!tpu.dma_semaphore, #tpu.memory_space<semaphore_mem>>)
        %dma_start3A_271 = arith.constant 0 : i32
        %dma_start3A_272 = tpu.memref_slice %arg3[%add3A_247, %dma_start3A_271, %mul3A_264] : memref<1024x8x8192xf32, #tpu.memory_space<hbm>> -> memref<1x8x4096xf32, #tpu.memory_space<hbm>>
        %dma_start3A_273 = tpu.memref_squeeze %dma_start3A_272 : memref<1x8x4096xf32, #tpu.memory_space<hbm>> -> memref<8x4096xf32, #tpu.memory_space<hbm>>
        %dma_start3A_274 = arith.constant 0 : i32
        %dma_start3A_275 = tpu.memref_slice %arg3[%add3A_247, %dma_start3A_274, %mul3A_264] : memref<1024x8x8192xf32, #tpu.memory_space<hbm>> -> memref<1x8x4096xf32, #tpu.memory_space<hbm>>
        %dma_start3A_276 = tpu.memref_squeeze %dma_start3A_275 : memref<1x8x4096xf32, #tpu.memory_space<hbm>> -> memref<8x4096xf32, #tpu.memory_space<hbm>>
        tpu.enqueue_dma source(%dma_start3A_276 : memref<8x4096xf32, #tpu.memory_space<hbm>>) target(%arg11 : memref<8x4096xf32, #tpu.memory_space<vmem>>) target_semaphore(%arg17 : memref<!tpu.dma_semaphore, #tpu.memory_space<semaphore_mem>>)
        %dma_start3A_277 = tpu.memref_slice %arg4[%add3A_247, %mul3A_264] : memref<1024x8192xf32, #tpu.memory_space<hbm>> -> memref<1x4096xf32, #tpu.memory_space<hbm>>
        %dma_start3A_278 = tpu.memref_squeeze %dma_start3A_277 : memref<1x4096xf32, #tpu.memory_space<hbm>> -> memref<4096xf32, #tpu.memory_space<hbm>>
        %dma_start3A_279 = tpu.memref_slice %arg4[%add3A_247, %mul3A_264] : memref<1024x8192xf32, #tpu.memory_space<hbm>> -> memref<1x4096xf32, #tpu.memory_space<hbm>>
        %dma_start3A_280 = tpu.memref_squeeze %dma_start3A_279 : memref<1x4096xf32, #tpu.memory_space<hbm>> -> memref<4096xf32, #tpu.memory_space<hbm>>
        tpu.enqueue_dma source(%dma_start3A_280 : memref<4096xf32, #tpu.memory_space<hbm>>) target(%arg13 : memref<4096xf32, #tpu.memory_space<vmem>>) target_semaphore(%arg17 : memref<!tpu.dma_semaphore, #tpu.memory_space<semaphore_mem>>)
      } else {
      }
      %dma_wait3A_57 = arith.constant 0 : i32
      %dma_wait3A_58 = arith.constant 0 : i32
      %dma_wait3A_59 = arith.constant 0 : i32
      %dma_wait3A_60 = tpu.memref_slice %arg2[%dma_wait3A_57, %dma_wait3A_58, %dma_wait3A_59] : memref<1024x4x8192xf32, #tpu.memory_space<hbm>> -> memref<1x4x4096xf32, #tpu.memory_space<hbm>>
      %dma_wait3A_61 = tpu.memref_squeeze %dma_wait3A_60 : memref<1x4x4096xf32, #tpu.memory_space<hbm>> -> memref<4x4096xf32, #tpu.memory_space<hbm>>
      %dma_wait3A_62 = arith.constant 0 : i32
      %dma_wait3A_63 = arith.constant 0 : i32
      %dma_wait3A_64 = tpu.memref_slice %arg2[%dma_wait3A_57, %dma_wait3A_62, %dma_wait3A_63] : memref<1024x4x8192xf32, #tpu.memory_space<hbm>> -> memref<1x4x4096xf32, #tpu.memory_space<hbm>>
      %dma_wait3A_65 = tpu.memref_squeeze %dma_wait3A_64 : memref<1x4x4096xf32, #tpu.memory_space<hbm>> -> memref<4x4096xf32, #tpu.memory_space<hbm>>
      tpu.wait_dma2 semaphore(%arg16 : memref<!tpu.dma_semaphore, #tpu.memory_space<semaphore_mem>>) src(%dma_wait3A_65 : memref<4x4096xf32, #tpu.memory_space<hbm>>) dst(%arg8 : memref<4x4096xf32, #tpu.memory_space<vmem>>)
      %dma_wait3A_66 = arith.constant 0 : i32
      %dma_wait3A_67 = arith.constant 0 : i32
      %dma_wait3A_68 = arith.constant 0 : i32
      %dma_wait3A_69 = tpu.memref_slice %arg3[%dma_wait3A_66, %dma_wait3A_67, %dma_wait3A_68] : memref<1024x8x8192xf32, #tpu.memory_space<hbm>> -> memref<1x8x4096xf32, #tpu.memory_space<hbm>>
      %dma_wait3A_70 = tpu.memref_squeeze %dma_wait3A_69 : memref<1x8x4096xf32, #tpu.memory_space<hbm>> -> memref<8x4096xf32, #tpu.memory_space<hbm>>
      %dma_wait3A_71 = arith.constant 0 : i32
      %dma_wait3A_72 = arith.constant 0 : i32
      %dma_wait3A_73 = tpu.memref_slice %arg3[%dma_wait3A_66, %dma_wait3A_71, %dma_wait3A_72] : memref<1024x8x8192xf32, #tpu.memory_space<hbm>> -> memref<1x8x4096xf32, #tpu.memory_space<hbm>>
      %dma_wait3A_74 = tpu.memref_squeeze %dma_wait3A_73 : memref<1x8x4096xf32, #tpu.memory_space<hbm>> -> memref<8x4096xf32, #tpu.memory_space<hbm>>
      tpu.wait_dma2 semaphore(%arg16 : memref<!tpu.dma_semaphore, #tpu.memory_space<semaphore_mem>>) src(%dma_wait3A_74 : memref<8x4096xf32, #tpu.memory_space<hbm>>) dst(%arg10 : memref<8x4096xf32, #tpu.memory_space<vmem>>)
      %dma_wait3A_75 = arith.constant 0 : i32
      %dma_wait3A_76 = arith.constant 0 : i32
      %dma_wait3A_77 = tpu.memref_slice %arg4[%dma_wait3A_75, %dma_wait3A_76] : memref<1024x8192xf32, #tpu.memory_space<hbm>> -> memref<1x4096xf32, #tpu.memory_space<hbm>>
      %dma_wait3A_78 = tpu.memref_squeeze %dma_wait3A_77 : memref<1x4096xf32, #tpu.memory_space<hbm>> -> memref<4096xf32, #tpu.memory_space<hbm>>
      %dma_wait3A_79 = arith.constant 0 : i32
      %dma_wait3A_80 = tpu.memref_slice %arg4[%dma_wait3A_75, %dma_wait3A_79] : memref<1024x8192xf32, #tpu.memory_space<hbm>> -> memref<1x4096xf32, #tpu.memory_space<hbm>>
      %dma_wait3A_81 = tpu.memref_squeeze %dma_wait3A_80 : memref<1x4096xf32, #tpu.memory_space<hbm>> -> memref<4096xf32, #tpu.memory_space<hbm>>
      tpu.wait_dma2 semaphore(%arg16 : memref<!tpu.dma_semaphore, #tpu.memory_space<semaphore_mem>>) src(%dma_wait3A_81 : memref<4096xf32, #tpu.memory_space<hbm>>) dst(%arg12 : memref<4096xf32, #tpu.memory_space<vmem>>)
      %ge3A = arith.constant 2 : i32
      %ge3A_82 = arith.cmpi sge, %add3A_52, %ge3A : i32
      %convert_element_type3A_83 = arith.extui %ge3A_82 : i1 to i32
      %cond3A_84 = arith.constant 0 : i32
      %cond3A_85 = arith.cmpi ne, %convert_element_type3A_83, %cond3A_84 : i32
      scf.if %cond3A_85 {
        %dma_wait3A_229 = arith.constant 0 : i32
        %dma_wait3A_230 = arith.constant 0 : i32
        %dma_wait3A_231 = tpu.memref_slice %arg6[%dma_wait3A_229, %dma_wait3A_230] : memref<256x8192xf32, #tpu.memory_space<hbm>> -> memref<1x4096xf32, #tpu.memory_space<hbm>>
        %dma_wait3A_232 = tpu.memref_squeeze %dma_wait3A_231 : memref<1x4096xf32, #tpu.memory_space<hbm>> -> memref<4096xf32, #tpu.memory_space<hbm>>
        %dma_wait3A_233 = arith.constant 0 : i32
        %dma_wait3A_234 = tpu.memref_slice %arg6[%dma_wait3A_229, %dma_wait3A_233] : memref<256x8192xf32, #tpu.memory_space<hbm>> -> memref<1x4096xf32, #tpu.memory_space<hbm>>
        %dma_wait3A_235 = tpu.memref_squeeze %dma_wait3A_234 : memref<1x4096xf32, #tpu.memory_space<hbm>> -> memref<4096xf32, #tpu.memory_space<hbm>>
        tpu.wait_dma2 semaphore(%arg18 : memref<!tpu.dma_semaphore, #tpu.memory_space<semaphore_mem>>) src(%arg14 : memref<4096xf32, #tpu.memory_space<vmem>>) dst(%dma_wait3A_235 : memref<4096xf32, #tpu.memory_space<hbm>>)
      } else {
      }
      %mul3A_86 = arith.constant 128 : i32
      %mul3A_87 = arith.muli %scan3A_48, %mul3A_86 : i32
      %add3A_88 = arith.constant 0 : i32
      %add3A_89 = arith.addi %mul3A_87, %add3A_88 : i32
      %get3A = arith.index_cast %add3A_89 : i32 to index
      %get3A_90 = tpu.vector_load %arg7[%get3A] {strides = array<i32>} : memref<1024xf32, #tpu.memory_space<vmem>>, vector<16xf32>,
      %get3A_91 = vector.shape_cast %get3A_90 : vector<16xf32> to vector<16xf32>
      %add3A_92 = arith.constant 16 : i32
      %add3A_93 = arith.addi %mul3A_87, %add3A_92 : i32
      %get3A_94 = arith.index_cast %add3A_93 : i32 to index
      %get3A_95 = tpu.vector_load %arg7[%get3A_94] {strides = array<i32>} : memref<1024xf32, #tpu.memory_space<vmem>>, vector<16xf32>,
      %get3A_96 = vector.shape_cast %get3A_95 : vector<16xf32> to vector<16xf32>
      %add3A_97 = arith.constant 32 : i32
      %add3A_98 = arith.addi %mul3A_87, %add3A_97 : i32
      %get3A_99 = arith.index_cast %add3A_98 : i32 to index
      %get3A_100 = tpu.vector_load %arg7[%get3A_99] {strides = array<i32>} : memref<1024xf32, #tpu.memory_space<vmem>>, vector<16xf32>,
      %get3A_101 = vector.shape_cast %get3A_100 : vector<16xf32> to vector<16xf32>
      %add3A_102 = arith.constant 48 : i32
      %add3A_103 = arith.addi %mul3A_87, %add3A_102 : i32
      %get3A_104 = arith.index_cast %add3A_103 : i32 to index
      %get3A_105 = tpu.vector_load %arg7[%get3A_104] {strides = array<i32>} : memref<1024xf32, #tpu.memory_space<vmem>>, vector<16xf32>,
      %get3A_106 = vector.shape_cast %get3A_105 : vector<16xf32> to vector<16xf32>
      %add3A_107 = arith.constant 64 : i32
      %add3A_108 = arith.addi %mul3A_87, %add3A_107 : i32
      %get3A_109 = arith.index_cast %add3A_108 : i32 to index
      %get3A_110 = tpu.vector_load %arg7[%get3A_109] {strides = array<i32>} : memref<1024xf32, #tpu.memory_space<vmem>>, vector<16xf32>,
      %get3A_111 = vector.shape_cast %get3A_110 : vector<16xf32> to vector<16xf32>
      %add3A_112 = arith.constant 80 : i32
      %add3A_113 = arith.addi %mul3A_87, %add3A_112 : i32
      %get3A_114 = arith.index_cast %add3A_113 : i32 to index
      %get3A_115 = tpu.vector_load %arg7[%get3A_114] {strides = array<i32>} : memref<1024xf32, #tpu.memory_space<vmem>>, vector<16xf32>,
      %get3A_116 = vector.shape_cast %get3A_115 : vector<16xf32> to vector<16xf32>
      %add3A_117 = arith.constant 96 : i32
      %add3A_118 = arith.addi %mul3A_87, %add3A_117 : i32
      %get3A_119 = arith.index_cast %add3A_118 : i32 to index
      %get3A_120 = tpu.vector_load %arg7[%get3A_119] {strides = array<i32>} : memref<1024xf32, #tpu.memory_space<vmem>>, vector<16xf32>,
      %get3A_121 = vector.shape_cast %get3A_120 : vector<16xf32> to vector<16xf32>
      %add3A_122 = arith.constant 112 : i32
      %add3A_123 = arith.addi %mul3A_87, %add3A_122 : i32
      %get3A_124 = arith.index_cast %add3A_123 : i32 to index
      %get3A_125 = tpu.vector_load %arg7[%get3A_124] {strides = array<i32>} : memref<1024xf32, #tpu.memory_space<vmem>>, vector<16xf32>,
      %get3A_126 = vector.shape_cast %get3A_125 : vector<16xf32> to vector<16xf32>
      %parallel_loop3A = arith.constant 0 : i32
      %parallel_loop3A_127 = arith.constant 256 : i32
      %parallel_loop3A_128 = arith.constant 1 : i32
      scf.for %parallel_loop3A_229 = %parallel_loop3A to %parallel_loop3A_127 step %parallel_loop3A_128  : i32 {
        %parallel_loop3A_230 = arith.constant 16 : i32
        %parallel_loop3A_231 = arith.muli %parallel_loop3A_229, %parallel_loop3A_230 : i32
        %parallel_loop3A_232 = arith.constant 0 : i32
        %parallel_loop3A_233 = arith.index_cast %parallel_loop3A_232 : i32 to index
        %parallel_loop3A_234 = arith.index_cast %parallel_loop3A_231 : i32 to index
        %parallel_loop3A_235 = tpu.vector_load %arg8[%parallel_loop3A_233, %parallel_loop3A_234] {strides = array<i32>} : memref<4x4096xf32, #tpu.memory_space<vmem>>, vector<1x16xf32>,
        %parallel_loop3A_236 = vector.shape_cast %parallel_loop3A_235 : vector<1x16xf32> to vector<16xf32>
        %parallel_loop3A_237 = arith.constant 1.000000e+00 : f32
        %parallel_loop3A_238 = vector.broadcast %parallel_loop3A_237 : f32 to vector<16xf32>
        %parallel_loop3A_239 = arith.subf %parallel_loop3A_238, %parallel_loop3A_236 : vector<16xf32>
        %parallel_loop3A_240 = arith.constant 1 : i32
        %parallel_loop3A_241 = arith.index_cast %parallel_loop3A_240 : i32 to index
        %parallel_loop3A_242 = arith.index_cast %parallel_loop3A_231 : i32 to index
        %parallel_loop3A_243 = tpu.vector_load %arg8[%parallel_loop3A_241, %parallel_loop3A_242] {strides = array<i32>} : memref<4x4096xf32, #tpu.memory_space<vmem>>, vector<1x16xf32>,
        %parallel_loop3A_244 = vector.shape_cast %parallel_loop3A_243 : vector<1x16xf32> to vector<16xf32>
        %parallel_loop3A_245 = arith.constant 1.000000e+00 : f32
        %parallel_loop3A_246 = vector.broadcast %parallel_loop3A_245 : f32 to vector<16xf32>
        %parallel_loop3A_247 = arith.subf %parallel_loop3A_246, %parallel_loop3A_244 : vector<16xf32>
        %parallel_loop3A_248 = arith.mulf %parallel_loop3A_239, %parallel_loop3A_247 : vector<16xf32>
        %parallel_loop3A_249 = arith.constant 2 : i32
        %parallel_loop3A_250 = arith.index_cast %parallel_loop3A_249 : i32 to index
        %parallel_loop3A_251 = arith.index_cast %parallel_loop3A_231 : i32 to index
        %parallel_loop3A_252 = tpu.vector_load %arg8[%parallel_loop3A_250, %parallel_loop3A_251] {strides = array<i32>} : memref<4x4096xf32, #tpu.memory_space<vmem>>, vector<1x16xf32>,
        %parallel_loop3A_253 = vector.shape_cast %parallel_loop3A_252 : vector<1x16xf32> to vector<16xf32>
        %parallel_loop3A_254 = arith.constant 1.000000e+00 : f32
        %parallel_loop3A_255 = vector.broadcast %parallel_loop3A_254 : f32 to vector<16xf32>
        %parallel_loop3A_256 = arith.subf %parallel_loop3A_255, %parallel_loop3A_253 : vector<16xf32>
        %parallel_loop3A_257 = arith.constant 3 : i32
        %parallel_loop3A_258 = arith.index_cast %parallel_loop3A_257 : i32 to index
        %parallel_loop3A_259 = arith.index_cast %parallel_loop3A_231 : i32 to index
        %parallel_loop3A_260 = tpu.vector_load %arg8[%parallel_loop3A_258, %parallel_loop3A_259] {strides = array<i32>} : memref<4x4096xf32, #tpu.memory_space<vmem>>, vector<1x16xf32>,
        %parallel_loop3A_261 = vector.shape_cast %parallel_loop3A_260 : vector<1x16xf32> to vector<16xf32>
        %parallel_loop3A_262 = arith.constant 1.000000e+00 : f32
        %parallel_loop3A_263 = vector.broadcast %parallel_loop3A_262 : f32 to vector<16xf32>
        %parallel_loop3A_264 = arith.subf %parallel_loop3A_263, %parallel_loop3A_261 : vector<16xf32>
        %parallel_loop3A_265 = arith.mulf %parallel_loop3A_256, %parallel_loop3A_264 : vector<16xf32>
        %parallel_loop3A_266 = arith.mulf %parallel_loop3A_248, %parallel_loop3A_265 : vector<16xf32>
        %parallel_loop3A_267 = arith.index_cast %parallel_loop3A_231 : i32 to index
        %parallel_loop3A_268 = tpu.vector_load %arg12[%parallel_loop3A_267] {strides = array<i32>} : memref<4096xf32, #tpu.memory_space<vmem>>, vector<16xf32>,
        %parallel_loop3A_269 = vector.shape_cast %parallel_loop3A_268 : vector<16xf32> to vector<16xf32>
        %parallel_loop3A_270 = arith.constant 1.000000e+00 : f32
        %parallel_loop3A_271 = vector.broadcast %parallel_loop3A_270 : f32 to vector<16xf32>
        %parallel_loop3A_272 = arith.subf %parallel_loop3A_271, %parallel_loop3A_269 : vector<16xf32>
        %parallel_loop3A_273 = arith.mulf %parallel_loop3A_266, %parallel_loop3A_272 : vector<16xf32>
        %parallel_loop3A_274 = arith.constant 1.000000e+00 : f32
        %parallel_loop3A_275 = vector.broadcast %parallel_loop3A_274 : f32 to vector<16xf32>
        %parallel_loop3A_276 = arith.subf %parallel_loop3A_275, %parallel_loop3A_273 : vector<16xf32>
        %parallel_loop3A_277 = arith.constant 0 : i32
        %parallel_loop3A_278 = arith.index_cast %parallel_loop3A_277 : i32 to index
        %parallel_loop3A_279 = arith.index_cast %parallel_loop3A_231 : i32 to index
        %parallel_loop3A_280 = tpu.vector_load %arg10[%parallel_loop3A_278, %parallel_loop3A_279] {strides = array<i32>} : memref<8x4096xf32, #tpu.memory_space<vmem>>, vector<1x16xf32>,
        %parallel_loop3A_281 = vector.shape_cast %parallel_loop3A_280 : vector<1x16xf32> to vector<16xf32>
        %parallel_loop3A_282 = arith.mulf %get3A_91, %parallel_loop3A_281 : vector<16xf32>
        %parallel_loop3A_283 = arith.constant 1.000000e+00 : f32
        %parallel_loop3A_284 = vector.broadcast %parallel_loop3A_283 : f32 to vector<16xf32>
        %parallel_loop3A_285 = arith.subf %parallel_loop3A_284, %parallel_loop3A_282 : vector<16xf32>
        %parallel_loop3A_286 = arith.constant 1 : i32
        %parallel_loop3A_287 = arith.index_cast %parallel_loop3A_286 : i32 to index
        %parallel_loop3A_288 = arith.index_cast %parallel_loop3A_231 : i32 to index
        %parallel_loop3A_289 = tpu.vector_load %arg10[%parallel_loop3A_287, %parallel_loop3A_288] {strides = array<i32>} : memref<8x4096xf32, #tpu.memory_space<vmem>>, vector<1x16xf32>,
        %parallel_loop3A_290 = vector.shape_cast %parallel_loop3A_289 : vector<1x16xf32> to vector<16xf32>
        %parallel_loop3A_291 = arith.mulf %get3A_96, %parallel_loop3A_290 : vector<16xf32>
        %parallel_loop3A_292 = arith.constant 1.000000e+00 : f32
        %parallel_loop3A_293 = vector.broadcast %parallel_loop3A_292 : f32 to vector<16xf32>
        %parallel_loop3A_294 = arith.subf %parallel_loop3A_293, %parallel_loop3A_291 : vector<16xf32>
        %parallel_loop3A_295 = arith.mulf %parallel_loop3A_285, %parallel_loop3A_294 : vector<16xf32>
        %parallel_loop3A_296 = arith.constant 2 : i32
        %parallel_loop3A_297 = arith.index_cast %parallel_loop3A_296 : i32 to index
        %parallel_loop3A_298 = arith.index_cast %parallel_loop3A_231 : i32 to index
        %parallel_loop3A_299 = tpu.vector_load %arg10[%parallel_loop3A_297, %parallel_loop3A_298] {strides = array<i32>} : memref<8x4096xf32, #tpu.memory_space<vmem>>, vector<1x16xf32>,
        %parallel_loop3A_300 = vector.shape_cast %parallel_loop3A_299 : vector<1x16xf32> to vector<16xf32>
        %parallel_loop3A_301 = arith.mulf %get3A_101, %parallel_loop3A_300 : vector<16xf32>
        %parallel_loop3A_302 = arith.constant 1.000000e+00 : f32
        %parallel_loop3A_303 = vector.broadcast %parallel_loop3A_302 : f32 to vector<16xf32>
        %parallel_loop3A_304 = arith.subf %parallel_loop3A_303, %parallel_loop3A_301 : vector<16xf32>
        %parallel_loop3A_305 = arith.mulf %parallel_loop3A_295, %parallel_loop3A_304 : vector<16xf32>
        %parallel_loop3A_306 = arith.constant 3 : i32
        %parallel_loop3A_307 = arith.index_cast %parallel_loop3A_306 : i32 to index
        %parallel_loop3A_308 = arith.index_cast %parallel_loop3A_231 : i32 to index
        %parallel_loop3A_309 = tpu.vector_load %arg10[%parallel_loop3A_307, %parallel_loop3A_308] {strides = array<i32>} : memref<8x4096xf32, #tpu.memory_space<vmem>>, vector<1x16xf32>,
        %parallel_loop3A_310 = vector.shape_cast %parallel_loop3A_309 : vector<1x16xf32> to vector<16xf32>
        %parallel_loop3A_311 = arith.mulf %get3A_106, %parallel_loop3A_310 : vector<16xf32>
        %parallel_loop3A_312 = arith.constant 1.000000e+00 : f32
        %parallel_loop3A_313 = vector.broadcast %parallel_loop3A_312 : f32 to vector<16xf32>
        %parallel_loop3A_314 = arith.subf %parallel_loop3A_313, %parallel_loop3A_311 : vector<16xf32>
        %parallel_loop3A_315 = arith.mulf %parallel_loop3A_305, %parallel_loop3A_314 : vector<16xf32>
        %parallel_loop3A_316 = arith.constant 4 : i32
        %parallel_loop3A_317 = arith.index_cast %parallel_loop3A_316 : i32 to index
        %parallel_loop3A_318 = arith.index_cast %parallel_loop3A_231 : i32 to index
        %parallel_loop3A_319 = tpu.vector_load %arg10[%parallel_loop3A_317, %parallel_loop3A_318] {strides = array<i32>} : memref<8x4096xf32, #tpu.memory_space<vmem>>, vector<1x16xf32>,
        %parallel_loop3A_320 = vector.shape_cast %parallel_loop3A_319 : vector<1x16xf32> to vector<16xf32>
        %parallel_loop3A_321 = arith.mulf %get3A_111, %parallel_loop3A_320 : vector<16xf32>
        %parallel_loop3A_322 = arith.constant 1.000000e+00 : f32
        %parallel_loop3A_323 = vector.broadcast %parallel_loop3A_322 : f32 to vector<16xf32>
        %parallel_loop3A_324 = arith.subf %parallel_loop3A_323, %parallel_loop3A_321 : vector<16xf32>
        %parallel_loop3A_325 = arith.mulf %parallel_loop3A_315, %parallel_loop3A_324 : vector<16xf32>
        %parallel_loop3A_326 = arith.constant 5 : i32
        %parallel_loop3A_327 = arith.index_cast %parallel_loop3A_326 : i32 to index
        %parallel_loop3A_328 = arith.index_cast %parallel_loop3A_231 : i32 to index
        %parallel_loop3A_329 = tpu.vector_load %arg10[%parallel_loop3A_327, %parallel_loop3A_328] {strides = array<i32>} : memref<8x4096xf32, #tpu.memory_space<vmem>>, vector<1x16xf32>,
        %parallel_loop3A_330 = vector.shape_cast %parallel_loop3A_329 : vector<1x16xf32> to vector<16xf32>
        %parallel_loop3A_331 = arith.mulf %get3A_116, %parallel_loop3A_330 : vector<16xf32>
        %parallel_loop3A_332 = arith.constant 1.000000e+00 : f32
        %parallel_loop3A_333 = vector.broadcast %parallel_loop3A_332 : f32 to vector<16xf32>
        %parallel_loop3A_334 = arith.subf %parallel_loop3A_333, %parallel_loop3A_331 : vector<16xf32>
        %parallel_loop3A_335 = arith.mulf %parallel_loop3A_325, %parallel_loop3A_334 : vector<16xf32>
        %parallel_loop3A_336 = arith.constant 6 : i32
        %parallel_loop3A_337 = arith.index_cast %parallel_loop3A_336 : i32 to index
        %parallel_loop3A_338 = arith.index_cast %parallel_loop3A_231 : i32 to index
        %parallel_loop3A_339 = tpu.vector_load %arg10[%parallel_loop3A_337, %parallel_loop3A_338] {strides = array<i32>} : memref<8x4096xf32, #tpu.memory_space<vmem>>, vector<1x16xf32>,
        %parallel_loop3A_340 = vector.shape_cast %parallel_loop3A_339 : vector<1x16xf32> to vector<16xf32>
        %parallel_loop3A_341 = arith.mulf %get3A_121, %parallel_loop3A_340 : vector<16xf32>
        %parallel_loop3A_342 = arith.constant 1.000000e+00 : f32
        %parallel_loop3A_343 = vector.broadcast %parallel_loop3A_342 : f32 to vector<16xf32>
        %parallel_loop3A_344 = arith.subf %parallel_loop3A_343, %parallel_loop3A_341 : vector<16xf32>
        %parallel_loop3A_345 = arith.mulf %parallel_loop3A_335, %parallel_loop3A_344 : vector<16xf32>
        %parallel_loop3A_346 = arith.constant 7 : i32
        %parallel_loop3A_347 = arith.index_cast %parallel_loop3A_346 : i32 to index
        %parallel_loop3A_348 = arith.index_cast %parallel_loop3A_231 : i32 to index
        %parallel_loop3A_349 = tpu.vector_load %arg10[%parallel_loop3A_347, %parallel_loop3A_348] {strides = array<i32>} : memref<8x4096xf32, #tpu.memory_space<vmem>>, vector<1x16xf32>,
        %parallel_loop3A_350 = vector.shape_cast %parallel_loop3A_349 : vector<1x16xf32> to vector<16xf32>
        %parallel_loop3A_351 = arith.mulf %get3A_126, %parallel_loop3A_350 : vector<16xf32>
        %parallel_loop3A_352 = arith.constant 1.000000e+00 : f32
        %parallel_loop3A_353 = vector.broadcast %parallel_loop3A_352 : f32 to vector<16xf32>
        %parallel_loop3A_354 = arith.subf %parallel_loop3A_353, %parallel_loop3A_351 : vector<16xf32>
        %parallel_loop3A_355 = arith.mulf %parallel_loop3A_345, %parallel_loop3A_354 : vector<16xf32>
        %parallel_loop3A_356 = arith.mulf %parallel_loop3A_276, %parallel_loop3A_355 : vector<16xf32>
        %parallel_loop3A_357 = arith.index_cast %parallel_loop3A_231 : i32 to index
        %parallel_loop3A_358 = tpu.vector_load %arg14[%parallel_loop3A_357] {strides = array<i32>} : memref<4096xf32, #tpu.memory_space<vmem>>, vector<16xf32>,
        %parallel_loop3A_359 = vector.shape_cast %parallel_loop3A_358 : vector<16xf32> to vector<16xf32>
        %parallel_loop3A_360 = vector.shape_cast %parallel_loop3A_356 : vector<16xf32> to vector<16xf32>
        tpu.vector_store %arg14[%parallel_loop3A_357], %parallel_loop3A_360 {strides = array<i32>} : memref<4096xf32, #tpu.memory_space<vmem>>, vector<16xf32>,
      } {sc.loop_unroll_factor = 8 : i64, sc.parallel_access}
      %add3A_129 = arith.addi %mul3A_2, %scan3A_48 : i32
      %dma_start3A_130 = arith.constant 0 : i32
      %dma_start3A_131 = tpu.memref_slice %arg6[%add3A_129, %dma_start3A_130] : memref<256x8192xf32, #tpu.memory_space<hbm>> -> memref<1x4096xf32, #tpu.memory_space<hbm>>
      %dma_start3A_132 = tpu.memref_squeeze %dma_start3A_131 : memref<1x4096xf32, #tpu.memory_space<hbm>> -> memref<4096xf32, #tpu.memory_space<hbm>>
      %dma_start3A_133 = arith.constant 0 : i32
      %dma_start3A_134 = tpu.memref_slice %arg6[%add3A_129, %dma_start3A_133] : memref<256x8192xf32, #tpu.memory_space<hbm>> -> memref<1x4096xf32, #tpu.memory_space<hbm>>
      %dma_start3A_135 = tpu.memref_squeeze %dma_start3A_134 : memref<1x4096xf32, #tpu.memory_space<hbm>> -> memref<4096xf32, #tpu.memory_space<hbm>>
      tpu.enqueue_dma source(%arg14 : memref<4096xf32, #tpu.memory_space<vmem>>) target(%dma_start3A_135 : memref<4096xf32, #tpu.memory_space<hbm>>) target_semaphore(%arg18 : memref<!tpu.dma_semaphore, #tpu.memory_space<semaphore_mem>>)
      %mul3A_136 = arith.constant 2 : i32
      %mul3A_137 = arith.muli %scan3A_48, %mul3A_136 : i32
      %add3A_138 = arith.constant 1 : i32
      %add3A_139 = arith.addi %mul3A_137, %add3A_138 : i32
      %add3A_140 = arith.constant 1 : i32
      %add3A_141 = arith.addi %add3A_139, %add3A_140 : i32
      %lt3A_142 = arith.constant 16 : i32
      %lt3A_143 = arith.cmpi slt, %add3A_141, %lt3A_142 : i32
      %convert_element_type3A_144 = arith.extui %lt3A_143 : i1 to i32
      %cond3A_145 = arith.constant 0 : i32
      %cond3A_146 = arith.cmpi ne, %convert_element_type3A_144, %cond3A_145 : i32
      scf.if %cond3A_146 {
        %add3A_229 = arith.constant 1 : i32
        %add3A_230 = arith.addi %add3A_139, %add3A_229 : i32
        %jit3A = arith.constant 2 : i32
        %div3A = arith.divsi %add3A_230, %jit3A : i32
        %sign3A = arith.constant 0 : i32
        %sign3A_231 = arith.cmpi sgt, %add3A_230, %sign3A : i32
        %sign3A_232 = arith.extui %sign3A_231 : i1 to i32
        %sign3A_233 = arith.constant 0 : i32
        %sign3A_234 = arith.cmpi slt, %add3A_230, %sign3A_233 : i32
        %sign3A_235 = arith.extui %sign3A_234 : i1 to i32
        %sign3A_236 = arith.subi %sign3A_232, %sign3A_235 : i32
        %sign3A_237 = arith.constant 0 : i32
        %sign3A_238 = arith.cmpi sgt, %jit3A, %sign3A_237 : i32
        %sign3A_239 = arith.extui %sign3A_238 : i1 to i32
        %sign3A_240 = arith.constant 0 : i32
        %sign3A_241 = arith.cmpi slt, %jit3A, %sign3A_240 : i32
        %sign3A_242 = arith.extui %sign3A_241 : i1 to i32
        %sign3A_243 = arith.subi %sign3A_239, %sign3A_242 : i32
        %ne3A = arith.cmpi ne, %sign3A_236, %sign3A_243 : i32
        %rem3A = arith.remsi %add3A_230, %jit3A : i32
        %ne3A_244 = arith.constant 0 : i32
        %ne3A_245 = arith.cmpi ne, %rem3A, %ne3A_244 : i32
        %and3A = arith.andi %ne3A, %ne3A_245 : i1
        %sub3A = arith.constant 1 : i32
        %sub3A_246 = arith.subi %div3A, %sub3A : i32
        %select_n3A = arith.select %and3A, %sub3A_246, %div3A : i32
        %add3A_247 = arith.addi %mul3A_2, %select_n3A : i32
        %jit3A_248 = arith.constant 2 : i32
        %eq3A = arith.constant 0 : i32
        %eq3A_249 = arith.cmpi eq, %jit3A_248, %eq3A : i32
        %jit3A_250 = arith.constant 1 : i32
        %select_n3A_251 = arith.select %eq3A_249, %jit3A_250, %jit3A_248 : i32
        %rem3A_252 = arith.remsi %add3A_230, %select_n3A_251 : i32
        %ne3A_253 = arith.constant 0 : i32
        %ne3A_254 = arith.cmpi ne, %rem3A_252, %ne3A_253 : i32
        %lt3A_255 = arith.constant 0 : i32
        %lt3A_256 = arith.cmpi slt, %rem3A_252, %lt3A_255 : i32
        %lt3A_257 = arith.constant 0 : i32
        %lt3A_258 = arith.cmpi slt, %select_n3A_251, %lt3A_257 : i32
        %ne3A_259 = arith.xori %lt3A_256, %lt3A_258 : i1
        %and3A_260 = arith.andi %ne3A_259, %ne3A_254 : i1
        %add3A_261 = arith.addi %rem3A_252, %select_n3A_251 : i32
        %select_n3A_262 = arith.select %and3A_260, %add3A_261, %rem3A_252 : i32
        %mul3A_263 = arith.constant 4096 : i32
        %mul3A_264 = arith.muli %select_n3A_262, %mul3A_263 : i32
        %dma_start3A_265 = arith.constant 0 : i32
        %dma_start3A_266 = tpu.memref_slice %arg2[%add3A_247, %dma_start3A_265, %mul3A_264] : memref<1024x4x8192xf32, #tpu.memory_space<hbm>> -> memref<1x4x4096xf32, #tpu.memory_space<hbm>>
        %dma_start3A_267 = tpu.memref_squeeze %dma_start3A_266 : memref<1x4x4096xf32, #tpu.memory_space<hbm>> -> memref<4x4096xf32, #tpu.memory_space<hbm>>
        %dma_start3A_268 = arith.constant 0 : i32
        %dma_start3A_269 = tpu.memref_slice %arg2[%add3A_247, %dma_start3A_268, %mul3A_264] : memref<1024x4x8192xf32, #tpu.memory_space<hbm>> -> memref<1x4x4096xf32, #tpu.memory_space<hbm>>
        %dma_start3A_270 = tpu.memref_squeeze %dma_start3A_269 : memref<1x4x4096xf32, #tpu.memory_space<hbm>> -> memref<4x4096xf32, #tpu.memory_space<hbm>>
        tpu.enqueue_dma source(%dma_start3A_270 : memref<4x4096xf32, #tpu.memory_space<hbm>>) target(%arg8 : memref<4x4096xf32, #tpu.memory_space<vmem>>) target_semaphore(%arg16 : memref<!tpu.dma_semaphore, #tpu.memory_space<semaphore_mem>>)
        %dma_start3A_271 = arith.constant 0 : i32
        %dma_start3A_272 = tpu.memref_slice %arg3[%add3A_247, %dma_start3A_271, %mul3A_264] : memref<1024x8x8192xf32, #tpu.memory_space<hbm>> -> memref<1x8x4096xf32, #tpu.memory_space<hbm>>
        %dma_start3A_273 = tpu.memref_squeeze %dma_start3A_272 : memref<1x8x4096xf32, #tpu.memory_space<hbm>> -> memref<8x4096xf32, #tpu.memory_space<hbm>>
        %dma_start3A_274 = arith.constant 0 : i32
        %dma_start3A_275 = tpu.memref_slice %arg3[%add3A_247, %dma_start3A_274, %mul3A_264] : memref<1024x8x8192xf32, #tpu.memory_space<hbm>> -> memref<1x8x4096xf32, #tpu.memory_space<hbm>>
        %dma_start3A_276 = tpu.memref_squeeze %dma_start3A_275 : memref<1x8x4096xf32, #tpu.memory_space<hbm>> -> memref<8x4096xf32, #tpu.memory_space<hbm>>
        tpu.enqueue_dma source(%dma_start3A_276 : memref<8x4096xf32, #tpu.memory_space<hbm>>) target(%arg10 : memref<8x4096xf32, #tpu.memory_space<vmem>>) target_semaphore(%arg16 : memref<!tpu.dma_semaphore, #tpu.memory_space<semaphore_mem>>)
        %dma_start3A_277 = tpu.memref_slice %arg4[%add3A_247, %mul3A_264] : memref<1024x8192xf32, #tpu.memory_space<hbm>> -> memref<1x4096xf32, #tpu.memory_space<hbm>>
        %dma_start3A_278 = tpu.memref_squeeze %dma_start3A_277 : memref<1x4096xf32, #tpu.memory_space<hbm>> -> memref<4096xf32, #tpu.memory_space<hbm>>
        %dma_start3A_279 = tpu.memref_slice %arg4[%add3A_247, %mul3A_264] : memref<1024x8192xf32, #tpu.memory_space<hbm>> -> memref<1x4096xf32, #tpu.memory_space<hbm>>
        %dma_start3A_280 = tpu.memref_squeeze %dma_start3A_279 : memref<1x4096xf32, #tpu.memory_space<hbm>> -> memref<4096xf32, #tpu.memory_space<hbm>>
        tpu.enqueue_dma source(%dma_start3A_280 : memref<4096xf32, #tpu.memory_space<hbm>>) target(%arg12 : memref<4096xf32, #tpu.memory_space<vmem>>) target_semaphore(%arg16 : memref<!tpu.dma_semaphore, #tpu.memory_space<semaphore_mem>>)
      } else {
      }
      %dma_wait3A_147 = arith.constant 0 : i32
      %dma_wait3A_148 = arith.constant 0 : i32
      %dma_wait3A_149 = arith.constant 0 : i32
      %dma_wait3A_150 = tpu.memref_slice %arg2[%dma_wait3A_147, %dma_wait3A_148, %dma_wait3A_149] : memref<1024x4x8192xf32, #tpu.memory_space<hbm>> -> memref<1x4x4096xf32, #tpu.memory_space<hbm>>
      %dma_wait3A_151 = tpu.memref_squeeze %dma_wait3A_150 : memref<1x4x4096xf32, #tpu.memory_space<hbm>> -> memref<4x4096xf32, #tpu.memory_space<hbm>>
      %dma_wait3A_152 = arith.constant 0 : i32
      %dma_wait3A_153 = arith.constant 0 : i32
      %dma_wait3A_154 = tpu.memref_slice %arg2[%dma_wait3A_147, %dma_wait3A_152, %dma_wait3A_153] : memref<1024x4x8192xf32, #tpu.memory_space<hbm>> -> memref<1x4x4096xf32, #tpu.memory_space<hbm>>
      %dma_wait3A_155 = tpu.memref_squeeze %dma_wait3A_154 : memref<1x4x4096xf32, #tpu.memory_space<hbm>> -> memref<4x4096xf32, #tpu.memory_space<hbm>>
      tpu.wait_dma2 semaphore(%arg17 : memref<!tpu.dma_semaphore, #tpu.memory_space<semaphore_mem>>) src(%dma_wait3A_155 : memref<4x4096xf32, #tpu.memory_space<hbm>>) dst(%arg9 : memref<4x4096xf32, #tpu.memory_space<vmem>>)
      %dma_wait3A_156 = arith.constant 0 : i32
      %dma_wait3A_157 = arith.constant 0 : i32
      %dma_wait3A_158 = arith.constant 0 : i32
      %dma_wait3A_159 = tpu.memref_slice %arg3[%dma_wait3A_156, %dma_wait3A_157, %dma_wait3A_158] : memref<1024x8x8192xf32, #tpu.memory_space<hbm>> -> memref<1x8x4096xf32, #tpu.memory_space<hbm>>
      %dma_wait3A_160 = tpu.memref_squeeze %dma_wait3A_159 : memref<1x8x4096xf32, #tpu.memory_space<hbm>> -> memref<8x4096xf32, #tpu.memory_space<hbm>>
      %dma_wait3A_161 = arith.constant 0 : i32
      %dma_wait3A_162 = arith.constant 0 : i32
      %dma_wait3A_163 = tpu.memref_slice %arg3[%dma_wait3A_156, %dma_wait3A_161, %dma_wait3A_162] : memref<1024x8x8192xf32, #tpu.memory_space<hbm>> -> memref<1x8x4096xf32, #tpu.memory_space<hbm>>
      %dma_wait3A_164 = tpu.memref_squeeze %dma_wait3A_163 : memref<1x8x4096xf32, #tpu.memory_space<hbm>> -> memref<8x4096xf32, #tpu.memory_space<hbm>>
      tpu.wait_dma2 semaphore(%arg17 : memref<!tpu.dma_semaphore, #tpu.memory_space<semaphore_mem>>) src(%dma_wait3A_164 : memref<8x4096xf32, #tpu.memory_space<hbm>>) dst(%arg11 : memref<8x4096xf32, #tpu.memory_space<vmem>>)
      %dma_wait3A_165 = arith.constant 0 : i32
      %dma_wait3A_166 = arith.constant 0 : i32
      %dma_wait3A_167 = tpu.memref_slice %arg4[%dma_wait3A_165, %dma_wait3A_166] : memref<1024x8192xf32, #tpu.memory_space<hbm>> -> memref<1x4096xf32, #tpu.memory_space<hbm>>
      %dma_wait3A_168 = tpu.memref_squeeze %dma_wait3A_167 : memref<1x4096xf32, #tpu.memory_space<hbm>> -> memref<4096xf32, #tpu.memory_space<hbm>>
      %dma_wait3A_169 = arith.constant 0 : i32
      %dma_wait3A_170 = tpu.memref_slice %arg4[%dma_wait3A_165, %dma_wait3A_169] : memref<1024x8192xf32, #tpu.memory_space<hbm>> -> memref<1x4096xf32, #tpu.memory_space<hbm>>
      %dma_wait3A_171 = tpu.memref_squeeze %dma_wait3A_170 : memref<1x4096xf32, #tpu.memory_space<hbm>> -> memref<4096xf32, #tpu.memory_space<hbm>>
      tpu.wait_dma2 semaphore(%arg17 : memref<!tpu.dma_semaphore, #tpu.memory_space<semaphore_mem>>) src(%dma_wait3A_171 : memref<4096xf32, #tpu.memory_space<hbm>>) dst(%arg13 : memref<4096xf32, #tpu.memory_space<vmem>>)
      %ge3A_172 = arith.constant 2 : i32
      %ge3A_173 = arith.cmpi sge, %add3A_139, %ge3A_172 : i32
      %convert_element_type3A_174 = arith.extui %ge3A_173 : i1 to i32
      %cond3A_175 = arith.constant 0 : i32
      %cond3A_176 = arith.cmpi ne, %convert_element_type3A_174, %cond3A_175 : i32
      scf.if %cond3A_176 {
        %dma_wait3A_229 = arith.constant 0 : i32
        %dma_wait3A_230 = arith.constant 0 : i32
        %dma_wait3A_231 = tpu.memref_slice %arg6[%dma_wait3A_229, %dma_wait3A_230] : memref<256x8192xf32, #tpu.memory_space<hbm>> -> memref<1x4096xf32, #tpu.memory_space<hbm>>
        %dma_wait3A_232 = tpu.memref_squeeze %dma_wait3A_231 : memref<1x4096xf32, #tpu.memory_space<hbm>> -> memref<4096xf32, #tpu.memory_space<hbm>>
        %dma_wait3A_233 = arith.constant 0 : i32
        %dma_wait3A_234 = tpu.memref_slice %arg6[%dma_wait3A_229, %dma_wait3A_233] : memref<256x8192xf32, #tpu.memory_space<hbm>> -> memref<1x4096xf32, #tpu.memory_space<hbm>>
        %dma_wait3A_235 = tpu.memref_squeeze %dma_wait3A_234 : memref<1x4096xf32, #tpu.memory_space<hbm>> -> memref<4096xf32, #tpu.memory_space<hbm>>
        tpu.wait_dma2 semaphore(%arg19 : memref<!tpu.dma_semaphore, #tpu.memory_space<semaphore_mem>>) src(%arg15 : memref<4096xf32, #tpu.memory_space<vmem>>) dst(%dma_wait3A_235 : memref<4096xf32, #tpu.memory_space<hbm>>)
      } else {
      }
      %mul3A_177 = arith.constant 128 : i32
      %mul3A_178 = arith.muli %scan3A_48, %mul3A_177 : i32
      %add3A_179 = arith.constant 0 : i32
      %add3A_180 = arith.addi %mul3A_178, %add3A_179 : i32
      %get3A_181 = arith.index_cast %add3A_180 : i32 to index
      %get3A_182 = tpu.vector_load %arg7[%get3A_181] {strides = array<i32>} : memref<1024xf32, #tpu.memory_space<vmem>>, vector<16xf32>,
      %get3A_183 = vector.shape_cast %get3A_182 : vector<16xf32> to vector<16xf32>
      %add3A_184 = arith.constant 16 : i32
      %add3A_185 = arith.addi %mul3A_178, %add3A_184 : i32
      %get3A_186 = arith.index_cast %add3A_185 : i32 to index
      %get3A_187 = tpu.vector_load %arg7[%get3A_186] {strides = array<i32>} : memref<1024xf32, #tpu.memory_space<vmem>>, vector<16xf32>,
      %get3A_188 = vector.shape_cast %get3A_187 : vector<16xf32> to vector<16xf32>
      %add3A_189 = arith.constant 32 : i32
      %add3A_190 = arith.addi %mul3A_178, %add3A_189 : i32
      %get3A_191 = arith.index_cast %add3A_190 : i32 to index
      %get3A_192 = tpu.vector_load %arg7[%get3A_191] {strides = array<i32>} : memref<1024xf32, #tpu.memory_space<vmem>>, vector<16xf32>,
      %get3A_193 = vector.shape_cast %get3A_192 : vector<16xf32> to vector<16xf32>
      %add3A_194 = arith.constant 48 : i32
      %add3A_195 = arith.addi %mul3A_178, %add3A_194 : i32
      %get3A_196 = arith.index_cast %add3A_195 : i32 to index
      %get3A_197 = tpu.vector_load %arg7[%get3A_196] {strides = array<i32>} : memref<1024xf32, #tpu.memory_space<vmem>>, vector<16xf32>,
      %get3A_198 = vector.shape_cast %get3A_197 : vector<16xf32> to vector<16xf32>
      %add3A_199 = arith.constant 64 : i32
      %add3A_200 = arith.addi %mul3A_178, %add3A_199 : i32
      %get3A_201 = arith.index_cast %add3A_200 : i32 to index
      %get3A_202 = tpu.vector_load %arg7[%get3A_201] {strides = array<i32>} : memref<1024xf32, #tpu.memory_space<vmem>>, vector<16xf32>,
      %get3A_203 = vector.shape_cast %get3A_202 : vector<16xf32> to vector<16xf32>
      %add3A_204 = arith.constant 80 : i32
      %add3A_205 = arith.addi %mul3A_178, %add3A_204 : i32
      %get3A_206 = arith.index_cast %add3A_205 : i32 to index
      %get3A_207 = tpu.vector_load %arg7[%get3A_206] {strides = array<i32>} : memref<1024xf32, #tpu.memory_space<vmem>>, vector<16xf32>,
      %get3A_208 = vector.shape_cast %get3A_207 : vector<16xf32> to vector<16xf32>
      %add3A_209 = arith.constant 96 : i32
      %add3A_210 = arith.addi %mul3A_178, %add3A_209 : i32
      %get3A_211 = arith.index_cast %add3A_210 : i32 to index
      %get3A_212 = tpu.vector_load %arg7[%get3A_211] {strides = array<i32>} : memref<1024xf32, #tpu.memory_space<vmem>>, vector<16xf32>,
      %get3A_213 = vector.shape_cast %get3A_212 : vector<16xf32> to vector<16xf32>
      %add3A_214 = arith.constant 112 : i32
      %add3A_215 = arith.addi %mul3A_178, %add3A_214 : i32
      %get3A_216 = arith.index_cast %add3A_215 : i32 to index
      %get3A_217 = tpu.vector_load %arg7[%get3A_216] {strides = array<i32>} : memref<1024xf32, #tpu.memory_space<vmem>>, vector<16xf32>,
      %get3A_218 = vector.shape_cast %get3A_217 : vector<16xf32> to vector<16xf32>
      %parallel_loop3A_219 = arith.constant 0 : i32
      %parallel_loop3A_220 = arith.constant 256 : i32
      %parallel_loop3A_221 = arith.constant 1 : i32
      scf.for %parallel_loop3A_229 = %parallel_loop3A_219 to %parallel_loop3A_220 step %parallel_loop3A_221  : i32 {
        %parallel_loop3A_230 = arith.constant 16 : i32
        %parallel_loop3A_231 = arith.muli %parallel_loop3A_229, %parallel_loop3A_230 : i32
        %parallel_loop3A_232 = arith.constant 0 : i32
        %parallel_loop3A_233 = arith.index_cast %parallel_loop3A_232 : i32 to index
        %parallel_loop3A_234 = arith.index_cast %parallel_loop3A_231 : i32 to index
        %parallel_loop3A_235 = tpu.vector_load %arg9[%parallel_loop3A_233, %parallel_loop3A_234] {strides = array<i32>} : memref<4x4096xf32, #tpu.memory_space<vmem>>, vector<1x16xf32>,
        %parallel_loop3A_236 = vector.shape_cast %parallel_loop3A_235 : vector<1x16xf32> to vector<16xf32>
        %parallel_loop3A_237 = arith.constant 1.000000e+00 : f32
        %parallel_loop3A_238 = vector.broadcast %parallel_loop3A_237 : f32 to vector<16xf32>
        %parallel_loop3A_239 = arith.subf %parallel_loop3A_238, %parallel_loop3A_236 : vector<16xf32>
        %parallel_loop3A_240 = arith.constant 1 : i32
        %parallel_loop3A_241 = arith.index_cast %parallel_loop3A_240 : i32 to index
        %parallel_loop3A_242 = arith.index_cast %parallel_loop3A_231 : i32 to index
        %parallel_loop3A_243 = tpu.vector_load %arg9[%parallel_loop3A_241, %parallel_loop3A_242] {strides = array<i32>} : memref<4x4096xf32, #tpu.memory_space<vmem>>, vector<1x16xf32>,
        %parallel_loop3A_244 = vector.shape_cast %parallel_loop3A_243 : vector<1x16xf32> to vector<16xf32>
        %parallel_loop3A_245 = arith.constant 1.000000e+00 : f32
        %parallel_loop3A_246 = vector.broadcast %parallel_loop3A_245 : f32 to vector<16xf32>
        %parallel_loop3A_247 = arith.subf %parallel_loop3A_246, %parallel_loop3A_244 : vector<16xf32>
        %parallel_loop3A_248 = arith.mulf %parallel_loop3A_239, %parallel_loop3A_247 : vector<16xf32>
        %parallel_loop3A_249 = arith.constant 2 : i32
        %parallel_loop3A_250 = arith.index_cast %parallel_loop3A_249 : i32 to index
        %parallel_loop3A_251 = arith.index_cast %parallel_loop3A_231 : i32 to index
        %parallel_loop3A_252 = tpu.vector_load %arg9[%parallel_loop3A_250, %parallel_loop3A_251] {strides = array<i32>} : memref<4x4096xf32, #tpu.memory_space<vmem>>, vector<1x16xf32>,
        %parallel_loop3A_253 = vector.shape_cast %parallel_loop3A_252 : vector<1x16xf32> to vector<16xf32>
        %parallel_loop3A_254 = arith.constant 1.000000e+00 : f32
        %parallel_loop3A_255 = vector.broadcast %parallel_loop3A_254 : f32 to vector<16xf32>
        %parallel_loop3A_256 = arith.subf %parallel_loop3A_255, %parallel_loop3A_253 : vector<16xf32>
        %parallel_loop3A_257 = arith.constant 3 : i32
        %parallel_loop3A_258 = arith.index_cast %parallel_loop3A_257 : i32 to index
        %parallel_loop3A_259 = arith.index_cast %parallel_loop3A_231 : i32 to index
        %parallel_loop3A_260 = tpu.vector_load %arg9[%parallel_loop3A_258, %parallel_loop3A_259] {strides = array<i32>} : memref<4x4096xf32, #tpu.memory_space<vmem>>, vector<1x16xf32>,
        %parallel_loop3A_261 = vector.shape_cast %parallel_loop3A_260 : vector<1x16xf32> to vector<16xf32>
        %parallel_loop3A_262 = arith.constant 1.000000e+00 : f32
        %parallel_loop3A_263 = vector.broadcast %parallel_loop3A_262 : f32 to vector<16xf32>
        %parallel_loop3A_264 = arith.subf %parallel_loop3A_263, %parallel_loop3A_261 : vector<16xf32>
        %parallel_loop3A_265 = arith.mulf %parallel_loop3A_256, %parallel_loop3A_264 : vector<16xf32>
        %parallel_loop3A_266 = arith.mulf %parallel_loop3A_248, %parallel_loop3A_265 : vector<16xf32>
        %parallel_loop3A_267 = arith.index_cast %parallel_loop3A_231 : i32 to index
        %parallel_loop3A_268 = tpu.vector_load %arg13[%parallel_loop3A_267] {strides = array<i32>} : memref<4096xf32, #tpu.memory_space<vmem>>, vector<16xf32>,
        %parallel_loop3A_269 = vector.shape_cast %parallel_loop3A_268 : vector<16xf32> to vector<16xf32>
        %parallel_loop3A_270 = arith.constant 1.000000e+00 : f32
        %parallel_loop3A_271 = vector.broadcast %parallel_loop3A_270 : f32 to vector<16xf32>
        %parallel_loop3A_272 = arith.subf %parallel_loop3A_271, %parallel_loop3A_269 : vector<16xf32>
        %parallel_loop3A_273 = arith.mulf %parallel_loop3A_266, %parallel_loop3A_272 : vector<16xf32>
        %parallel_loop3A_274 = arith.constant 1.000000e+00 : f32
        %parallel_loop3A_275 = vector.broadcast %parallel_loop3A_274 : f32 to vector<16xf32>
        %parallel_loop3A_276 = arith.subf %parallel_loop3A_275, %parallel_loop3A_273 : vector<16xf32>
        %parallel_loop3A_277 = arith.constant 0 : i32
        %parallel_loop3A_278 = arith.index_cast %parallel_loop3A_277 : i32 to index
        %parallel_loop3A_279 = arith.index_cast %parallel_loop3A_231 : i32 to index
        %parallel_loop3A_280 = tpu.vector_load %arg11[%parallel_loop3A_278, %parallel_loop3A_279] {strides = array<i32>} : memref<8x4096xf32, #tpu.memory_space<vmem>>, vector<1x16xf32>,
        %parallel_loop3A_281 = vector.shape_cast %parallel_loop3A_280 : vector<1x16xf32> to vector<16xf32>
        %parallel_loop3A_282 = arith.mulf %get3A_183, %parallel_loop3A_281 : vector<16xf32>
        %parallel_loop3A_283 = arith.constant 1.000000e+00 : f32
        %parallel_loop3A_284 = vector.broadcast %parallel_loop3A_283 : f32 to vector<16xf32>
        %parallel_loop3A_285 = arith.subf %parallel_loop3A_284, %parallel_loop3A_282 : vector<16xf32>
        %parallel_loop3A_286 = arith.constant 1 : i32
        %parallel_loop3A_287 = arith.index_cast %parallel_loop3A_286 : i32 to index
        %parallel_loop3A_288 = arith.index_cast %parallel_loop3A_231 : i32 to index
        %parallel_loop3A_289 = tpu.vector_load %arg11[%parallel_loop3A_287, %parallel_loop3A_288] {strides = array<i32>} : memref<8x4096xf32, #tpu.memory_space<vmem>>, vector<1x16xf32>,
        %parallel_loop3A_290 = vector.shape_cast %parallel_loop3A_289 : vector<1x16xf32> to vector<16xf32>
        %parallel_loop3A_291 = arith.mulf %get3A_188, %parallel_loop3A_290 : vector<16xf32>
        %parallel_loop3A_292 = arith.constant 1.000000e+00 : f32
        %parallel_loop3A_293 = vector.broadcast %parallel_loop3A_292 : f32 to vector<16xf32>
        %parallel_loop3A_294 = arith.subf %parallel_loop3A_293, %parallel_loop3A_291 : vector<16xf32>
        %parallel_loop3A_295 = arith.mulf %parallel_loop3A_285, %parallel_loop3A_294 : vector<16xf32>
        %parallel_loop3A_296 = arith.constant 2 : i32
        %parallel_loop3A_297 = arith.index_cast %parallel_loop3A_296 : i32 to index
        %parallel_loop3A_298 = arith.index_cast %parallel_loop3A_231 : i32 to index
        %parallel_loop3A_299 = tpu.vector_load %arg11[%parallel_loop3A_297, %parallel_loop3A_298] {strides = array<i32>} : memref<8x4096xf32, #tpu.memory_space<vmem>>, vector<1x16xf32>,
        %parallel_loop3A_300 = vector.shape_cast %parallel_loop3A_299 : vector<1x16xf32> to vector<16xf32>
        %parallel_loop3A_301 = arith.mulf %get3A_193, %parallel_loop3A_300 : vector<16xf32>
        %parallel_loop3A_302 = arith.constant 1.000000e+00 : f32
        %parallel_loop3A_303 = vector.broadcast %parallel_loop3A_302 : f32 to vector<16xf32>
        %parallel_loop3A_304 = arith.subf %parallel_loop3A_303, %parallel_loop3A_301 : vector<16xf32>
        %parallel_loop3A_305 = arith.mulf %parallel_loop3A_295, %parallel_loop3A_304 : vector<16xf32>
        %parallel_loop3A_306 = arith.constant 3 : i32
        %parallel_loop3A_307 = arith.index_cast %parallel_loop3A_306 : i32 to index
        %parallel_loop3A_308 = arith.index_cast %parallel_loop3A_231 : i32 to index
        %parallel_loop3A_309 = tpu.vector_load %arg11[%parallel_loop3A_307, %parallel_loop3A_308] {strides = array<i32>} : memref<8x4096xf32, #tpu.memory_space<vmem>>, vector<1x16xf32>,
        %parallel_loop3A_310 = vector.shape_cast %parallel_loop3A_309 : vector<1x16xf32> to vector<16xf32>
        %parallel_loop3A_311 = arith.mulf %get3A_198, %parallel_loop3A_310 : vector<16xf32>
        %parallel_loop3A_312 = arith.constant 1.000000e+00 : f32
        %parallel_loop3A_313 = vector.broadcast %parallel_loop3A_312 : f32 to vector<16xf32>
        %parallel_loop3A_314 = arith.subf %parallel_loop3A_313, %parallel_loop3A_311 : vector<16xf32>
        %parallel_loop3A_315 = arith.mulf %parallel_loop3A_305, %parallel_loop3A_314 : vector<16xf32>
        %parallel_loop3A_316 = arith.constant 4 : i32
        %parallel_loop3A_317 = arith.index_cast %parallel_loop3A_316 : i32 to index
        %parallel_loop3A_318 = arith.index_cast %parallel_loop3A_231 : i32 to index
        %parallel_loop3A_319 = tpu.vector_load %arg11[%parallel_loop3A_317, %parallel_loop3A_318] {strides = array<i32>} : memref<8x4096xf32, #tpu.memory_space<vmem>>, vector<1x16xf32>,
        %parallel_loop3A_320 = vector.shape_cast %parallel_loop3A_319 : vector<1x16xf32> to vector<16xf32>
        %parallel_loop3A_321 = arith.mulf %get3A_203, %parallel_loop3A_320 : vector<16xf32>
        %parallel_loop3A_322 = arith.constant 1.000000e+00 : f32
        %parallel_loop3A_323 = vector.broadcast %parallel_loop3A_322 : f32 to vector<16xf32>
        %parallel_loop3A_324 = arith.subf %parallel_loop3A_323, %parallel_loop3A_321 : vector<16xf32>
        %parallel_loop3A_325 = arith.mulf %parallel_loop3A_315, %parallel_loop3A_324 : vector<16xf32>
        %parallel_loop3A_326 = arith.constant 5 : i32
        %parallel_loop3A_327 = arith.index_cast %parallel_loop3A_326 : i32 to index
        %parallel_loop3A_328 = arith.index_cast %parallel_loop3A_231 : i32 to index
        %parallel_loop3A_329 = tpu.vector_load %arg11[%parallel_loop3A_327, %parallel_loop3A_328] {strides = array<i32>} : memref<8x4096xf32, #tpu.memory_space<vmem>>, vector<1x16xf32>,
        %parallel_loop3A_330 = vector.shape_cast %parallel_loop3A_329 : vector<1x16xf32> to vector<16xf32>
        %parallel_loop3A_331 = arith.mulf %get3A_208, %parallel_loop3A_330 : vector<16xf32>
        %parallel_loop3A_332 = arith.constant 1.000000e+00 : f32
        %parallel_loop3A_333 = vector.broadcast %parallel_loop3A_332 : f32 to vector<16xf32>
        %parallel_loop3A_334 = arith.subf %parallel_loop3A_333, %parallel_loop3A_331 : vector<16xf32>
        %parallel_loop3A_335 = arith.mulf %parallel_loop3A_325, %parallel_loop3A_334 : vector<16xf32>
        %parallel_loop3A_336 = arith.constant 6 : i32
        %parallel_loop3A_337 = arith.index_cast %parallel_loop3A_336 : i32 to index
        %parallel_loop3A_338 = arith.index_cast %parallel_loop3A_231 : i32 to index
        %parallel_loop3A_339 = tpu.vector_load %arg11[%parallel_loop3A_337, %parallel_loop3A_338] {strides = array<i32>} : memref<8x4096xf32, #tpu.memory_space<vmem>>, vector<1x16xf32>,
        %parallel_loop3A_340 = vector.shape_cast %parallel_loop3A_339 : vector<1x16xf32> to vector<16xf32>
        %parallel_loop3A_341 = arith.mulf %get3A_213, %parallel_loop3A_340 : vector<16xf32>
        %parallel_loop3A_342 = arith.constant 1.000000e+00 : f32
        %parallel_loop3A_343 = vector.broadcast %parallel_loop3A_342 : f32 to vector<16xf32>
        %parallel_loop3A_344 = arith.subf %parallel_loop3A_343, %parallel_loop3A_341 : vector<16xf32>
        %parallel_loop3A_345 = arith.mulf %parallel_loop3A_335, %parallel_loop3A_344 : vector<16xf32>
        %parallel_loop3A_346 = arith.constant 7 : i32
        %parallel_loop3A_347 = arith.index_cast %parallel_loop3A_346 : i32 to index
        %parallel_loop3A_348 = arith.index_cast %parallel_loop3A_231 : i32 to index
        %parallel_loop3A_349 = tpu.vector_load %arg11[%parallel_loop3A_347, %parallel_loop3A_348] {strides = array<i32>} : memref<8x4096xf32, #tpu.memory_space<vmem>>, vector<1x16xf32>,
        %parallel_loop3A_350 = vector.shape_cast %parallel_loop3A_349 : vector<1x16xf32> to vector<16xf32>
        %parallel_loop3A_351 = arith.mulf %get3A_218, %parallel_loop3A_350 : vector<16xf32>
        %parallel_loop3A_352 = arith.constant 1.000000e+00 : f32
        %parallel_loop3A_353 = vector.broadcast %parallel_loop3A_352 : f32 to vector<16xf32>
        %parallel_loop3A_354 = arith.subf %parallel_loop3A_353, %parallel_loop3A_351 : vector<16xf32>
        %parallel_loop3A_355 = arith.mulf %parallel_loop3A_345, %parallel_loop3A_354 : vector<16xf32>
        %parallel_loop3A_356 = arith.mulf %parallel_loop3A_276, %parallel_loop3A_355 : vector<16xf32>
        %parallel_loop3A_357 = arith.index_cast %parallel_loop3A_231 : i32 to index
        %parallel_loop3A_358 = tpu.vector_load %arg15[%parallel_loop3A_357] {strides = array<i32>} : memref<4096xf32, #tpu.memory_space<vmem>>, vector<16xf32>,
        %parallel_loop3A_359 = vector.shape_cast %parallel_loop3A_358 : vector<16xf32> to vector<16xf32>
        %parallel_loop3A_360 = vector.shape_cast %parallel_loop3A_356 : vector<16xf32> to vector<16xf32>
        tpu.vector_store %arg15[%parallel_loop3A_357], %parallel_loop3A_360 {strides = array<i32>} : memref<4096xf32, #tpu.memory_space<vmem>>, vector<16xf32>,
      } {sc.loop_unroll_factor = 8 : i64, sc.parallel_access}
      %add3A_222 = arith.addi %mul3A_2, %scan3A_48 : i32
      %dma_start3A_223 = arith.constant 4096 : i32
      %dma_start3A_224 = tpu.memref_slice %arg6[%add3A_222, %dma_start3A_223] : memref<256x8192xf32, #tpu.memory_space<hbm>> -> memref<1x4096xf32, #tpu.memory_space<hbm>>
      %dma_start3A_225 = tpu.memref_squeeze %dma_start3A_224 : memref<1x4096xf32, #tpu.memory_space<hbm>> -> memref<4096xf32, #tpu.memory_space<hbm>>
      %dma_start3A_226 = arith.constant 4096 : i32
      %dma_start3A_227 = tpu.memref_slice %arg6[%add3A_222, %dma_start3A_226] : memref<256x8192xf32, #tpu.memory_space<hbm>> -> memref<1x4096xf32, #tpu.memory_space<hbm>>
      %dma_start3A_228 = tpu.memref_squeeze %dma_start3A_227 : memref<1x4096xf32, #tpu.memory_space<hbm>> -> memref<4096xf32, #tpu.memory_space<hbm>>
      tpu.enqueue_dma source(%arg15 : memref<4096xf32, #tpu.memory_space<vmem>>) target(%dma_start3A_228 : memref<4096xf32, #tpu.memory_space<hbm>>) target_semaphore(%arg19 : memref<!tpu.dma_semaphore, #tpu.memory_space<semaphore_mem>>)
    }
    %scan3A_34 = arith.constant 8 : i32
    %dma_wait3A = arith.constant 0 : i32
    %dma_wait3A_35 = arith.constant 0 : i32
    %dma_wait3A_36 = tpu.memref_slice %arg6[%dma_wait3A, %dma_wait3A_35] : memref<256x8192xf32, #tpu.memory_space<hbm>> -> memref<1x4096xf32, #tpu.memory_space<hbm>>
    %dma_wait3A_37 = tpu.memref_squeeze %dma_wait3A_36 : memref<1x4096xf32, #tpu.memory_space<hbm>> -> memref<4096xf32, #tpu.memory_space<hbm>>
    %dma_wait3A_38 = arith.constant 0 : i32
    %dma_wait3A_39 = tpu.memref_slice %arg6[%dma_wait3A, %dma_wait3A_38] : memref<256x8192xf32, #tpu.memory_space<hbm>> -> memref<1x4096xf32, #tpu.memory_space<hbm>>
    %dma_wait3A_40 = tpu.memref_squeeze %dma_wait3A_39 : memref<1x4096xf32, #tpu.memory_space<hbm>> -> memref<4096xf32, #tpu.memory_space<hbm>>
    tpu.wait_dma2 semaphore(%arg18 : memref<!tpu.dma_semaphore, #tpu.memory_space<semaphore_mem>>) src(%arg14 : memref<4096xf32, #tpu.memory_space<vmem>>) dst(%dma_wait3A_40 : memref<4096xf32, #tpu.memory_space<hbm>>)
    %dma_wait3A_41 = arith.constant 0 : i32
    %dma_wait3A_42 = arith.constant 0 : i32
    %dma_wait3A_43 = tpu.memref_slice %arg6[%dma_wait3A_41, %dma_wait3A_42] : memref<256x8192xf32, #tpu.memory_space<hbm>> -> memref<1x4096xf32, #tpu.memory_space<hbm>>
    %dma_wait3A_44 = tpu.memref_squeeze %dma_wait3A_43 : memref<1x4096xf32, #tpu.memory_space<hbm>> -> memref<4096xf32, #tpu.memory_space<hbm>>
    %dma_wait3A_45 = arith.constant 0 : i32
    %dma_wait3A_46 = tpu.memref_slice %arg6[%dma_wait3A_41, %dma_wait3A_45] : memref<256x8192xf32, #tpu.memory_space<hbm>> -> memref<1x4096xf32, #tpu.memory_space<hbm>>
    %dma_wait3A_47 = tpu.memref_squeeze %dma_wait3A_46 : memref<1x4096xf32, #tpu.memory_space<hbm>> -> memref<4096xf32, #tpu.memory_space<hbm>>
    tpu.wait_dma2 semaphore(%arg19 : memref<!tpu.dma_semaphore, #tpu.memory_space<semaphore_mem>>) src(%arg15 : memref<4096xf32, #tpu.memory_space<vmem>>) dst(%dma_wait3A_47 : memref<4096xf32, #tpu.memory_space<hbm>>)
    return
  }
}

module attributes {stable_mosaic.version = 14 : i64} {
  func.func @_tc_body(%arg0: i32, %arg1: memref<32x4x8192xf32, #tpu.memory_space<vmem>>, %arg2: memref<32x8x8192xf32, #tpu.memory_space<vmem>>, %arg3: memref<32x8192xf32, #tpu.memory_space<vmem>>, %arg4: memref<32x8x128xf32, #tpu.memory_space<vmem>>, %arg5: memref<32x8192xf32, #tpu.memory_space<vmem>>) attributes {dimension_semantics = [#tpu.dimension_semantics<arbitrary>], iteration_bounds = array<i64: 24>, scalar_prefetch = 0 : i64, scratch_operands = 0 : i64, tpu.core_type = #tpu.core_type<tc>, window_params = [{transform_indices = @transform_0, window_bounds = array<i64: 32, 4, 8192>}, {transform_indices = @transform_1, window_bounds = array<i64: 32, 8, 8192>}, {transform_indices = @transform_2, window_bounds = array<i64: 32, 8192>}, {transform_indices = @transform_3, window_bounds = array<i64: 32, 8, 128>}, {transform_indices = @transform_4, window_bounds = array<i64: 32, 8192>}]} {
    %get3A = arith.constant 0 : index
    %get3A_0 = arith.constant 0 : index
    %get3A_1 = arith.constant 0 : index
    %get3A_2 = vector.load %arg1[%get3A, %get3A_0, %get3A_1] : memref<32x4x8192xf32, #tpu.memory_space<vmem>>, vector<32x1x8192xf32>
    %get3A_3 = vector.shape_cast %get3A_2 : vector<32x1x8192xf32> to vector<32x8192xf32>
    %sub3A = arith.constant 1.000000e+00 : f32
    %sub3A_4 = vector.broadcast %sub3A : f32 to vector<32x8192xf32>
    %sub3A_5 = arith.subf %sub3A_4, %get3A_3 : vector<32x8192xf32>
    %get3A_6 = arith.constant 0 : index
    %get3A_7 = arith.constant 1 : index
    %get3A_8 = arith.constant 0 : index
    %get3A_9 = vector.load %arg1[%get3A_6, %get3A_7, %get3A_8] : memref<32x4x8192xf32, #tpu.memory_space<vmem>>, vector<32x1x8192xf32>
    %get3A_10 = vector.shape_cast %get3A_9 : vector<32x1x8192xf32> to vector<32x8192xf32>
    %sub3A_11 = arith.constant 1.000000e+00 : f32
    %sub3A_12 = vector.broadcast %sub3A_11 : f32 to vector<32x8192xf32>
    %sub3A_13 = arith.subf %sub3A_12, %get3A_10 : vector<32x8192xf32>
    %mul3A = arith.mulf %sub3A_5, %sub3A_13 : vector<32x8192xf32>
    %get3A_14 = arith.constant 0 : index
    %get3A_15 = arith.constant 2 : index
    %get3A_16 = arith.constant 0 : index
    %get3A_17 = vector.load %arg1[%get3A_14, %get3A_15, %get3A_16] : memref<32x4x8192xf32, #tpu.memory_space<vmem>>, vector<32x1x8192xf32>
    %get3A_18 = vector.shape_cast %get3A_17 : vector<32x1x8192xf32> to vector<32x8192xf32>
    %sub3A_19 = arith.constant 1.000000e+00 : f32
    %sub3A_20 = vector.broadcast %sub3A_19 : f32 to vector<32x8192xf32>
    %sub3A_21 = arith.subf %sub3A_20, %get3A_18 : vector<32x8192xf32>
    %get3A_22 = arith.constant 0 : index
    %get3A_23 = arith.constant 3 : index
    %get3A_24 = arith.constant 0 : index
    %get3A_25 = vector.load %arg1[%get3A_22, %get3A_23, %get3A_24] : memref<32x4x8192xf32, #tpu.memory_space<vmem>>, vector<32x1x8192xf32>
    %get3A_26 = vector.shape_cast %get3A_25 : vector<32x1x8192xf32> to vector<32x8192xf32>
    %sub3A_27 = arith.constant 1.000000e+00 : f32
    %sub3A_28 = vector.broadcast %sub3A_27 : f32 to vector<32x8192xf32>
    %sub3A_29 = arith.subf %sub3A_28, %get3A_26 : vector<32x8192xf32>
    %mul3A_30 = arith.mulf %sub3A_21, %sub3A_29 : vector<32x8192xf32>
    %mul3A_31 = arith.mulf %mul3A, %mul3A_30 : vector<32x8192xf32>
    %get3A_32 = arith.constant 0 : index
    %get3A_33 = arith.constant 0 : index
    %get3A_34 = vector.load %arg3[%get3A_32, %get3A_33] : memref<32x8192xf32, #tpu.memory_space<vmem>>, vector<32x8192xf32>
    %sub3A_35 = arith.constant 1.000000e+00 : f32
    %sub3A_36 = vector.broadcast %sub3A_35 : f32 to vector<32x8192xf32>
    %sub3A_37 = arith.subf %sub3A_36, %get3A_34 : vector<32x8192xf32>
    %mul3A_38 = arith.mulf %mul3A_31, %sub3A_37 : vector<32x8192xf32>
    %sub3A_39 = arith.constant 1.000000e+00 : f32
    %sub3A_40 = vector.broadcast %sub3A_39 : f32 to vector<32x8192xf32>
    %sub3A_41 = arith.subf %sub3A_40, %mul3A_38 : vector<32x8192xf32>
    %get3A_42 = arith.constant 0 : index
    %get3A_43 = arith.constant 0 : index
    %get3A_44 = arith.constant 0 : index
    %get3A_45 = vector.load %arg4[%get3A_42, %get3A_43, %get3A_44] : memref<32x8x128xf32, #tpu.memory_space<vmem>>, vector<32x1x128xf32>
    %get3A_46 = vector.shape_cast %get3A_45 : vector<32x1x128xf32> to vector<32x128xf32>
    %concatenate3A = tpu.concatenate %get3A_46, %get3A_46, %get3A_46, %get3A_46, %get3A_46, %get3A_46, %get3A_46, %get3A_46, %get3A_46, %get3A_46, %get3A_46, %get3A_46, %get3A_46, %get3A_46, %get3A_46, %get3A_46, %get3A_46, %get3A_46, %get3A_46, %get3A_46, %get3A_46, %get3A_46, %get3A_46, %get3A_46, %get3A_46, %get3A_46, %get3A_46, %get3A_46, %get3A_46, %get3A_46, %get3A_46, %get3A_46, %get3A_46, %get3A_46, %get3A_46, %get3A_46, %get3A_46, %get3A_46, %get3A_46, %get3A_46, %get3A_46, %get3A_46, %get3A_46, %get3A_46, %get3A_46, %get3A_46, %get3A_46, %get3A_46, %get3A_46, %get3A_46, %get3A_46, %get3A_46, %get3A_46, %get3A_46, %get3A_46, %get3A_46, %get3A_46, %get3A_46, %get3A_46, %get3A_46, %get3A_46, %get3A_46, %get3A_46, %get3A_46 in 1 : vector<32x128xf32>, vector<32x128xf32>, vector<32x128xf32>, vector<32x128xf32>, vector<32x128xf32>, vector<32x128xf32>, vector<32x128xf32>, vector<32x128xf32>, vector<32x128xf32>, vector<32x128xf32>, vector<32x128xf32>, vector<32x128xf32>, vector<32x128xf32>, vector<32x128xf32>, vector<32x128xf32>, vector<32x128xf32>, vector<32x128xf32>, vector<32x128xf32>, vector<32x128xf32>, vector<32x128xf32>, vector<32x128xf32>, vector<32x128xf32>, vector<32x128xf32>, vector<32x128xf32>, vector<32x128xf32>, vector<32x128xf32>, vector<32x128xf32>, vector<32x128xf32>, vector<32x128xf32>, vector<32x128xf32>, vector<32x128xf32>, vector<32x128xf32>, vector<32x128xf32>, vector<32x128xf32>, vector<32x128xf32>, vector<32x128xf32>, vector<32x128xf32>, vector<32x128xf32>, vector<32x128xf32>, vector<32x128xf32>, vector<32x128xf32>, vector<32x128xf32>, vector<32x128xf32>, vector<32x128xf32>, vector<32x128xf32>, vector<32x128xf32>, vector<32x128xf32>, vector<32x128xf32>, vector<32x128xf32>, vector<32x128xf32>, vector<32x128xf32>, vector<32x128xf32>, vector<32x128xf32>, vector<32x128xf32>, vector<32x128xf32>, vector<32x128xf32>, vector<32x128xf32>, vector<32x128xf32>, vector<32x128xf32>, vector<32x128xf32>, vector<32x128xf32>, vector<32x128xf32>, vector<32x128xf32>, vector<32x128xf32> -> vector<32x8192xf32>
    %get3A_47 = arith.constant 0 : index
    %get3A_48 = arith.constant 0 : index
    %get3A_49 = arith.constant 0 : index
    %get3A_50 = vector.load %arg2[%get3A_47, %get3A_48, %get3A_49] : memref<32x8x8192xf32, #tpu.memory_space<vmem>>, vector<32x1x8192xf32>
    %get3A_51 = vector.shape_cast %get3A_50 : vector<32x1x8192xf32> to vector<32x8192xf32>
    %mul3A_52 = arith.mulf %concatenate3A, %get3A_51 : vector<32x8192xf32>
    %sub3A_53 = arith.constant 1.000000e+00 : f32
    %sub3A_54 = vector.broadcast %sub3A_53 : f32 to vector<32x8192xf32>
    %sub3A_55 = arith.subf %sub3A_54, %mul3A_52 : vector<32x8192xf32>
    %get3A_56 = arith.constant 0 : index
    %get3A_57 = arith.constant 1 : index
    %get3A_58 = arith.constant 0 : index
    %get3A_59 = vector.load %arg4[%get3A_56, %get3A_57, %get3A_58] : memref<32x8x128xf32, #tpu.memory_space<vmem>>, vector<32x1x128xf32>
    %get3A_60 = vector.shape_cast %get3A_59 : vector<32x1x128xf32> to vector<32x128xf32>
    %concatenate3A_61 = tpu.concatenate %get3A_60, %get3A_60, %get3A_60, %get3A_60, %get3A_60, %get3A_60, %get3A_60, %get3A_60, %get3A_60, %get3A_60, %get3A_60, %get3A_60, %get3A_60, %get3A_60, %get3A_60, %get3A_60, %get3A_60, %get3A_60, %get3A_60, %get3A_60, %get3A_60, %get3A_60, %get3A_60, %get3A_60, %get3A_60, %get3A_60, %get3A_60, %get3A_60, %get3A_60, %get3A_60, %get3A_60, %get3A_60, %get3A_60, %get3A_60, %get3A_60, %get3A_60, %get3A_60, %get3A_60, %get3A_60, %get3A_60, %get3A_60, %get3A_60, %get3A_60, %get3A_60, %get3A_60, %get3A_60, %get3A_60, %get3A_60, %get3A_60, %get3A_60, %get3A_60, %get3A_60, %get3A_60, %get3A_60, %get3A_60, %get3A_60, %get3A_60, %get3A_60, %get3A_60, %get3A_60, %get3A_60, %get3A_60, %get3A_60, %get3A_60 in 1 : vector<32x128xf32>, vector<32x128xf32>, vector<32x128xf32>, vector<32x128xf32>, vector<32x128xf32>, vector<32x128xf32>, vector<32x128xf32>, vector<32x128xf32>, vector<32x128xf32>, vector<32x128xf32>, vector<32x128xf32>, vector<32x128xf32>, vector<32x128xf32>, vector<32x128xf32>, vector<32x128xf32>, vector<32x128xf32>, vector<32x128xf32>, vector<32x128xf32>, vector<32x128xf32>, vector<32x128xf32>, vector<32x128xf32>, vector<32x128xf32>, vector<32x128xf32>, vector<32x128xf32>, vector<32x128xf32>, vector<32x128xf32>, vector<32x128xf32>, vector<32x128xf32>, vector<32x128xf32>, vector<32x128xf32>, vector<32x128xf32>, vector<32x128xf32>, vector<32x128xf32>, vector<32x128xf32>, vector<32x128xf32>, vector<32x128xf32>, vector<32x128xf32>, vector<32x128xf32>, vector<32x128xf32>, vector<32x128xf32>, vector<32x128xf32>, vector<32x128xf32>, vector<32x128xf32>, vector<32x128xf32>, vector<32x128xf32>, vector<32x128xf32>, vector<32x128xf32>, vector<32x128xf32>, vector<32x128xf32>, vector<32x128xf32>, vector<32x128xf32>, vector<32x128xf32>, vector<32x128xf32>, vector<32x128xf32>, vector<32x128xf32>, vector<32x128xf32>, vector<32x128xf32>, vector<32x128xf32>, vector<32x128xf32>, vector<32x128xf32>, vector<32x128xf32>, vector<32x128xf32>, vector<32x128xf32>, vector<32x128xf32> -> vector<32x8192xf32>
    %get3A_62 = arith.constant 0 : index
    %get3A_63 = arith.constant 1 : index
    %get3A_64 = arith.constant 0 : index
    %get3A_65 = vector.load %arg2[%get3A_62, %get3A_63, %get3A_64] : memref<32x8x8192xf32, #tpu.memory_space<vmem>>, vector<32x1x8192xf32>
    %get3A_66 = vector.shape_cast %get3A_65 : vector<32x1x8192xf32> to vector<32x8192xf32>
    %mul3A_67 = arith.mulf %concatenate3A_61, %get3A_66 : vector<32x8192xf32>
    %sub3A_68 = arith.constant 1.000000e+00 : f32
    %sub3A_69 = vector.broadcast %sub3A_68 : f32 to vector<32x8192xf32>
    %sub3A_70 = arith.subf %sub3A_69, %mul3A_67 : vector<32x8192xf32>
    %mul3A_71 = arith.mulf %sub3A_55, %sub3A_70 : vector<32x8192xf32>
    %get3A_72 = arith.constant 0 : index
    %get3A_73 = arith.constant 2 : index
    %get3A_74 = arith.constant 0 : index
    %get3A_75 = vector.load %arg4[%get3A_72, %get3A_73, %get3A_74] : memref<32x8x128xf32, #tpu.memory_space<vmem>>, vector<32x1x128xf32>
    %get3A_76 = vector.shape_cast %get3A_75 : vector<32x1x128xf32> to vector<32x128xf32>
    %concatenate3A_77 = tpu.concatenate %get3A_76, %get3A_76, %get3A_76, %get3A_76, %get3A_76, %get3A_76, %get3A_76, %get3A_76, %get3A_76, %get3A_76, %get3A_76, %get3A_76, %get3A_76, %get3A_76, %get3A_76, %get3A_76, %get3A_76, %get3A_76, %get3A_76, %get3A_76, %get3A_76, %get3A_76, %get3A_76, %get3A_76, %get3A_76, %get3A_76, %get3A_76, %get3A_76, %get3A_76, %get3A_76, %get3A_76, %get3A_76, %get3A_76, %get3A_76, %get3A_76, %get3A_76, %get3A_76, %get3A_76, %get3A_76, %get3A_76, %get3A_76, %get3A_76, %get3A_76, %get3A_76, %get3A_76, %get3A_76, %get3A_76, %get3A_76, %get3A_76, %get3A_76, %get3A_76, %get3A_76, %get3A_76, %get3A_76, %get3A_76, %get3A_76, %get3A_76, %get3A_76, %get3A_76, %get3A_76, %get3A_76, %get3A_76, %get3A_76, %get3A_76 in 1 : vector<32x128xf32>, vector<32x128xf32>, vector<32x128xf32>, vector<32x128xf32>, vector<32x128xf32>, vector<32x128xf32>, vector<32x128xf32>, vector<32x128xf32>, vector<32x128xf32>, vector<32x128xf32>, vector<32x128xf32>, vector<32x128xf32>, vector<32x128xf32>, vector<32x128xf32>, vector<32x128xf32>, vector<32x128xf32>, vector<32x128xf32>, vector<32x128xf32>, vector<32x128xf32>, vector<32x128xf32>, vector<32x128xf32>, vector<32x128xf32>, vector<32x128xf32>, vector<32x128xf32>, vector<32x128xf32>, vector<32x128xf32>, vector<32x128xf32>, vector<32x128xf32>, vector<32x128xf32>, vector<32x128xf32>, vector<32x128xf32>, vector<32x128xf32>, vector<32x128xf32>, vector<32x128xf32>, vector<32x128xf32>, vector<32x128xf32>, vector<32x128xf32>, vector<32x128xf32>, vector<32x128xf32>, vector<32x128xf32>, vector<32x128xf32>, vector<32x128xf32>, vector<32x128xf32>, vector<32x128xf32>, vector<32x128xf32>, vector<32x128xf32>, vector<32x128xf32>, vector<32x128xf32>, vector<32x128xf32>, vector<32x128xf32>, vector<32x128xf32>, vector<32x128xf32>, vector<32x128xf32>, vector<32x128xf32>, vector<32x128xf32>, vector<32x128xf32>, vector<32x128xf32>, vector<32x128xf32>, vector<32x128xf32>, vector<32x128xf32>, vector<32x128xf32>, vector<32x128xf32>, vector<32x128xf32>, vector<32x128xf32> -> vector<32x8192xf32>
    %get3A_78 = arith.constant 0 : index
    %get3A_79 = arith.constant 2 : index
    %get3A_80 = arith.constant 0 : index
    %get3A_81 = vector.load %arg2[%get3A_78, %get3A_79, %get3A_80] : memref<32x8x8192xf32, #tpu.memory_space<vmem>>, vector<32x1x8192xf32>
    %get3A_82 = vector.shape_cast %get3A_81 : vector<32x1x8192xf32> to vector<32x8192xf32>
    %mul3A_83 = arith.mulf %concatenate3A_77, %get3A_82 : vector<32x8192xf32>
    %sub3A_84 = arith.constant 1.000000e+00 : f32
    %sub3A_85 = vector.broadcast %sub3A_84 : f32 to vector<32x8192xf32>
    %sub3A_86 = arith.subf %sub3A_85, %mul3A_83 : vector<32x8192xf32>
    %mul3A_87 = arith.mulf %mul3A_71, %sub3A_86 : vector<32x8192xf32>
    %get3A_88 = arith.constant 0 : index
    %get3A_89 = arith.constant 3 : index
    %get3A_90 = arith.constant 0 : index
    %get3A_91 = vector.load %arg4[%get3A_88, %get3A_89, %get3A_90] : memref<32x8x128xf32, #tpu.memory_space<vmem>>, vector<32x1x128xf32>
    %get3A_92 = vector.shape_cast %get3A_91 : vector<32x1x128xf32> to vector<32x128xf32>
    %concatenate3A_93 = tpu.concatenate %get3A_92, %get3A_92, %get3A_92, %get3A_92, %get3A_92, %get3A_92, %get3A_92, %get3A_92, %get3A_92, %get3A_92, %get3A_92, %get3A_92, %get3A_92, %get3A_92, %get3A_92, %get3A_92, %get3A_92, %get3A_92, %get3A_92, %get3A_92, %get3A_92, %get3A_92, %get3A_92, %get3A_92, %get3A_92, %get3A_92, %get3A_92, %get3A_92, %get3A_92, %get3A_92, %get3A_92, %get3A_92, %get3A_92, %get3A_92, %get3A_92, %get3A_92, %get3A_92, %get3A_92, %get3A_92, %get3A_92, %get3A_92, %get3A_92, %get3A_92, %get3A_92, %get3A_92, %get3A_92, %get3A_92, %get3A_92, %get3A_92, %get3A_92, %get3A_92, %get3A_92, %get3A_92, %get3A_92, %get3A_92, %get3A_92, %get3A_92, %get3A_92, %get3A_92, %get3A_92, %get3A_92, %get3A_92, %get3A_92, %get3A_92 in 1 : vector<32x128xf32>, vector<32x128xf32>, vector<32x128xf32>, vector<32x128xf32>, vector<32x128xf32>, vector<32x128xf32>, vector<32x128xf32>, vector<32x128xf32>, vector<32x128xf32>, vector<32x128xf32>, vector<32x128xf32>, vector<32x128xf32>, vector<32x128xf32>, vector<32x128xf32>, vector<32x128xf32>, vector<32x128xf32>, vector<32x128xf32>, vector<32x128xf32>, vector<32x128xf32>, vector<32x128xf32>, vector<32x128xf32>, vector<32x128xf32>, vector<32x128xf32>, vector<32x128xf32>, vector<32x128xf32>, vector<32x128xf32>, vector<32x128xf32>, vector<32x128xf32>, vector<32x128xf32>, vector<32x128xf32>, vector<32x128xf32>, vector<32x128xf32>, vector<32x128xf32>, vector<32x128xf32>, vector<32x128xf32>, vector<32x128xf32>, vector<32x128xf32>, vector<32x128xf32>, vector<32x128xf32>, vector<32x128xf32>, vector<32x128xf32>, vector<32x128xf32>, vector<32x128xf32>, vector<32x128xf32>, vector<32x128xf32>, vector<32x128xf32>, vector<32x128xf32>, vector<32x128xf32>, vector<32x128xf32>, vector<32x128xf32>, vector<32x128xf32>, vector<32x128xf32>, vector<32x128xf32>, vector<32x128xf32>, vector<32x128xf32>, vector<32x128xf32>, vector<32x128xf32>, vector<32x128xf32>, vector<32x128xf32>, vector<32x128xf32>, vector<32x128xf32>, vector<32x128xf32>, vector<32x128xf32>, vector<32x128xf32> -> vector<32x8192xf32>
    %get3A_94 = arith.constant 0 : index
    %get3A_95 = arith.constant 3 : index
    %get3A_96 = arith.constant 0 : index
    %get3A_97 = vector.load %arg2[%get3A_94, %get3A_95, %get3A_96] : memref<32x8x8192xf32, #tpu.memory_space<vmem>>, vector<32x1x8192xf32>
    %get3A_98 = vector.shape_cast %get3A_97 : vector<32x1x8192xf32> to vector<32x8192xf32>
    %mul3A_99 = arith.mulf %concatenate3A_93, %get3A_98 : vector<32x8192xf32>
    %sub3A_100 = arith.constant 1.000000e+00 : f32
    %sub3A_101 = vector.broadcast %sub3A_100 : f32 to vector<32x8192xf32>
    %sub3A_102 = arith.subf %sub3A_101, %mul3A_99 : vector<32x8192xf32>
    %mul3A_103 = arith.mulf %mul3A_87, %sub3A_102 : vector<32x8192xf32>
    %get3A_104 = arith.constant 0 : index
    %get3A_105 = arith.constant 4 : index
    %get3A_106 = arith.constant 0 : index
    %get3A_107 = vector.load %arg4[%get3A_104, %get3A_105, %get3A_106] : memref<32x8x128xf32, #tpu.memory_space<vmem>>, vector<32x1x128xf32>
    %get3A_108 = vector.shape_cast %get3A_107 : vector<32x1x128xf32> to vector<32x128xf32>
    %concatenate3A_109 = tpu.concatenate %get3A_108, %get3A_108, %get3A_108, %get3A_108, %get3A_108, %get3A_108, %get3A_108, %get3A_108, %get3A_108, %get3A_108, %get3A_108, %get3A_108, %get3A_108, %get3A_108, %get3A_108, %get3A_108, %get3A_108, %get3A_108, %get3A_108, %get3A_108, %get3A_108, %get3A_108, %get3A_108, %get3A_108, %get3A_108, %get3A_108, %get3A_108, %get3A_108, %get3A_108, %get3A_108, %get3A_108, %get3A_108, %get3A_108, %get3A_108, %get3A_108, %get3A_108, %get3A_108, %get3A_108, %get3A_108, %get3A_108, %get3A_108, %get3A_108, %get3A_108, %get3A_108, %get3A_108, %get3A_108, %get3A_108, %get3A_108, %get3A_108, %get3A_108, %get3A_108, %get3A_108, %get3A_108, %get3A_108, %get3A_108, %get3A_108, %get3A_108, %get3A_108, %get3A_108, %get3A_108, %get3A_108, %get3A_108, %get3A_108, %get3A_108 in 1 : vector<32x128xf32>, vector<32x128xf32>, vector<32x128xf32>, vector<32x128xf32>, vector<32x128xf32>, vector<32x128xf32>, vector<32x128xf32>, vector<32x128xf32>, vector<32x128xf32>, vector<32x128xf32>, vector<32x128xf32>, vector<32x128xf32>, vector<32x128xf32>, vector<32x128xf32>, vector<32x128xf32>, vector<32x128xf32>, vector<32x128xf32>, vector<32x128xf32>, vector<32x128xf32>, vector<32x128xf32>, vector<32x128xf32>, vector<32x128xf32>, vector<32x128xf32>, vector<32x128xf32>, vector<32x128xf32>, vector<32x128xf32>, vector<32x128xf32>, vector<32x128xf32>, vector<32x128xf32>, vector<32x128xf32>, vector<32x128xf32>, vector<32x128xf32>, vector<32x128xf32>, vector<32x128xf32>, vector<32x128xf32>, vector<32x128xf32>, vector<32x128xf32>, vector<32x128xf32>, vector<32x128xf32>, vector<32x128xf32>, vector<32x128xf32>, vector<32x128xf32>, vector<32x128xf32>, vector<32x128xf32>, vector<32x128xf32>, vector<32x128xf32>, vector<32x128xf32>, vector<32x128xf32>, vector<32x128xf32>, vector<32x128xf32>, vector<32x128xf32>, vector<32x128xf32>, vector<32x128xf32>, vector<32x128xf32>, vector<32x128xf32>, vector<32x128xf32>, vector<32x128xf32>, vector<32x128xf32>, vector<32x128xf32>, vector<32x128xf32>, vector<32x128xf32>, vector<32x128xf32>, vector<32x128xf32>, vector<32x128xf32> -> vector<32x8192xf32>
    %get3A_110 = arith.constant 0 : index
    %get3A_111 = arith.constant 4 : index
    %get3A_112 = arith.constant 0 : index
    %get3A_113 = vector.load %arg2[%get3A_110, %get3A_111, %get3A_112] : memref<32x8x8192xf32, #tpu.memory_space<vmem>>, vector<32x1x8192xf32>
    %get3A_114 = vector.shape_cast %get3A_113 : vector<32x1x8192xf32> to vector<32x8192xf32>
    %mul3A_115 = arith.mulf %concatenate3A_109, %get3A_114 : vector<32x8192xf32>
    %sub3A_116 = arith.constant 1.000000e+00 : f32
    %sub3A_117 = vector.broadcast %sub3A_116 : f32 to vector<32x8192xf32>
    %sub3A_118 = arith.subf %sub3A_117, %mul3A_115 : vector<32x8192xf32>
    %mul3A_119 = arith.mulf %mul3A_103, %sub3A_118 : vector<32x8192xf32>
    %get3A_120 = arith.constant 0 : index
    %get3A_121 = arith.constant 5 : index
    %get3A_122 = arith.constant 0 : index
    %get3A_123 = vector.load %arg4[%get3A_120, %get3A_121, %get3A_122] : memref<32x8x128xf32, #tpu.memory_space<vmem>>, vector<32x1x128xf32>
    %get3A_124 = vector.shape_cast %get3A_123 : vector<32x1x128xf32> to vector<32x128xf32>
    %concatenate3A_125 = tpu.concatenate %get3A_124, %get3A_124, %get3A_124, %get3A_124, %get3A_124, %get3A_124, %get3A_124, %get3A_124, %get3A_124, %get3A_124, %get3A_124, %get3A_124, %get3A_124, %get3A_124, %get3A_124, %get3A_124, %get3A_124, %get3A_124, %get3A_124, %get3A_124, %get3A_124, %get3A_124, %get3A_124, %get3A_124, %get3A_124, %get3A_124, %get3A_124, %get3A_124, %get3A_124, %get3A_124, %get3A_124, %get3A_124, %get3A_124, %get3A_124, %get3A_124, %get3A_124, %get3A_124, %get3A_124, %get3A_124, %get3A_124, %get3A_124, %get3A_124, %get3A_124, %get3A_124, %get3A_124, %get3A_124, %get3A_124, %get3A_124, %get3A_124, %get3A_124, %get3A_124, %get3A_124, %get3A_124, %get3A_124, %get3A_124, %get3A_124, %get3A_124, %get3A_124, %get3A_124, %get3A_124, %get3A_124, %get3A_124, %get3A_124, %get3A_124 in 1 : vector<32x128xf32>, vector<32x128xf32>, vector<32x128xf32>, vector<32x128xf32>, vector<32x128xf32>, vector<32x128xf32>, vector<32x128xf32>, vector<32x128xf32>, vector<32x128xf32>, vector<32x128xf32>, vector<32x128xf32>, vector<32x128xf32>, vector<32x128xf32>, vector<32x128xf32>, vector<32x128xf32>, vector<32x128xf32>, vector<32x128xf32>, vector<32x128xf32>, vector<32x128xf32>, vector<32x128xf32>, vector<32x128xf32>, vector<32x128xf32>, vector<32x128xf32>, vector<32x128xf32>, vector<32x128xf32>, vector<32x128xf32>, vector<32x128xf32>, vector<32x128xf32>, vector<32x128xf32>, vector<32x128xf32>, vector<32x128xf32>, vector<32x128xf32>, vector<32x128xf32>, vector<32x128xf32>, vector<32x128xf32>, vector<32x128xf32>, vector<32x128xf32>, vector<32x128xf32>, vector<32x128xf32>, vector<32x128xf32>, vector<32x128xf32>, vector<32x128xf32>, vector<32x128xf32>, vector<32x128xf32>, vector<32x128xf32>, vector<32x128xf32>, vector<32x128xf32>, vector<32x128xf32>, vector<32x128xf32>, vector<32x128xf32>, vector<32x128xf32>, vector<32x128xf32>, vector<32x128xf32>, vector<32x128xf32>, vector<32x128xf32>, vector<32x128xf32>, vector<32x128xf32>, vector<32x128xf32>, vector<32x128xf32>, vector<32x128xf32>, vector<32x128xf32>, vector<32x128xf32>, vector<32x128xf32>, vector<32x128xf32> -> vector<32x8192xf32>
    %get3A_126 = arith.constant 0 : index
    %get3A_127 = arith.constant 5 : index
    %get3A_128 = arith.constant 0 : index
    %get3A_129 = vector.load %arg2[%get3A_126, %get3A_127, %get3A_128] : memref<32x8x8192xf32, #tpu.memory_space<vmem>>, vector<32x1x8192xf32>
    %get3A_130 = vector.shape_cast %get3A_129 : vector<32x1x8192xf32> to vector<32x8192xf32>
    %mul3A_131 = arith.mulf %concatenate3A_125, %get3A_130 : vector<32x8192xf32>
    %sub3A_132 = arith.constant 1.000000e+00 : f32
    %sub3A_133 = vector.broadcast %sub3A_132 : f32 to vector<32x8192xf32>
    %sub3A_134 = arith.subf %sub3A_133, %mul3A_131 : vector<32x8192xf32>
    %mul3A_135 = arith.mulf %mul3A_119, %sub3A_134 : vector<32x8192xf32>
    %get3A_136 = arith.constant 0 : index
    %get3A_137 = arith.constant 6 : index
    %get3A_138 = arith.constant 0 : index
    %get3A_139 = vector.load %arg4[%get3A_136, %get3A_137, %get3A_138] : memref<32x8x128xf32, #tpu.memory_space<vmem>>, vector<32x1x128xf32>
    %get3A_140 = vector.shape_cast %get3A_139 : vector<32x1x128xf32> to vector<32x128xf32>
    %concatenate3A_141 = tpu.concatenate %get3A_140, %get3A_140, %get3A_140, %get3A_140, %get3A_140, %get3A_140, %get3A_140, %get3A_140, %get3A_140, %get3A_140, %get3A_140, %get3A_140, %get3A_140, %get3A_140, %get3A_140, %get3A_140, %get3A_140, %get3A_140, %get3A_140, %get3A_140, %get3A_140, %get3A_140, %get3A_140, %get3A_140, %get3A_140, %get3A_140, %get3A_140, %get3A_140, %get3A_140, %get3A_140, %get3A_140, %get3A_140, %get3A_140, %get3A_140, %get3A_140, %get3A_140, %get3A_140, %get3A_140, %get3A_140, %get3A_140, %get3A_140, %get3A_140, %get3A_140, %get3A_140, %get3A_140, %get3A_140, %get3A_140, %get3A_140, %get3A_140, %get3A_140, %get3A_140, %get3A_140, %get3A_140, %get3A_140, %get3A_140, %get3A_140, %get3A_140, %get3A_140, %get3A_140, %get3A_140, %get3A_140, %get3A_140, %get3A_140, %get3A_140 in 1 : vector<32x128xf32>, vector<32x128xf32>, vector<32x128xf32>, vector<32x128xf32>, vector<32x128xf32>, vector<32x128xf32>, vector<32x128xf32>, vector<32x128xf32>, vector<32x128xf32>, vector<32x128xf32>, vector<32x128xf32>, vector<32x128xf32>, vector<32x128xf32>, vector<32x128xf32>, vector<32x128xf32>, vector<32x128xf32>, vector<32x128xf32>, vector<32x128xf32>, vector<32x128xf32>, vector<32x128xf32>, vector<32x128xf32>, vector<32x128xf32>, vector<32x128xf32>, vector<32x128xf32>, vector<32x128xf32>, vector<32x128xf32>, vector<32x128xf32>, vector<32x128xf32>, vector<32x128xf32>, vector<32x128xf32>, vector<32x128xf32>, vector<32x128xf32>, vector<32x128xf32>, vector<32x128xf32>, vector<32x128xf32>, vector<32x128xf32>, vector<32x128xf32>, vector<32x128xf32>, vector<32x128xf32>, vector<32x128xf32>, vector<32x128xf32>, vector<32x128xf32>, vector<32x128xf32>, vector<32x128xf32>, vector<32x128xf32>, vector<32x128xf32>, vector<32x128xf32>, vector<32x128xf32>, vector<32x128xf32>, vector<32x128xf32>, vector<32x128xf32>, vector<32x128xf32>, vector<32x128xf32>, vector<32x128xf32>, vector<32x128xf32>, vector<32x128xf32>, vector<32x128xf32>, vector<32x128xf32>, vector<32x128xf32>, vector<32x128xf32>, vector<32x128xf32>, vector<32x128xf32>, vector<32x128xf32>, vector<32x128xf32> -> vector<32x8192xf32>
    %get3A_142 = arith.constant 0 : index
    %get3A_143 = arith.constant 6 : index
    %get3A_144 = arith.constant 0 : index
    %get3A_145 = vector.load %arg2[%get3A_142, %get3A_143, %get3A_144] : memref<32x8x8192xf32, #tpu.memory_space<vmem>>, vector<32x1x8192xf32>
    %get3A_146 = vector.shape_cast %get3A_145 : vector<32x1x8192xf32> to vector<32x8192xf32>
    %mul3A_147 = arith.mulf %concatenate3A_141, %get3A_146 : vector<32x8192xf32>
    %sub3A_148 = arith.constant 1.000000e+00 : f32
    %sub3A_149 = vector.broadcast %sub3A_148 : f32 to vector<32x8192xf32>
    %sub3A_150 = arith.subf %sub3A_149, %mul3A_147 : vector<32x8192xf32>
    %mul3A_151 = arith.mulf %mul3A_135, %sub3A_150 : vector<32x8192xf32>
    %get3A_152 = arith.constant 0 : index
    %get3A_153 = arith.constant 7 : index
    %get3A_154 = arith.constant 0 : index
    %get3A_155 = vector.load %arg4[%get3A_152, %get3A_153, %get3A_154] : memref<32x8x128xf32, #tpu.memory_space<vmem>>, vector<32x1x128xf32>
    %get3A_156 = vector.shape_cast %get3A_155 : vector<32x1x128xf32> to vector<32x128xf32>
    %concatenate3A_157 = tpu.concatenate %get3A_156, %get3A_156, %get3A_156, %get3A_156, %get3A_156, %get3A_156, %get3A_156, %get3A_156, %get3A_156, %get3A_156, %get3A_156, %get3A_156, %get3A_156, %get3A_156, %get3A_156, %get3A_156, %get3A_156, %get3A_156, %get3A_156, %get3A_156, %get3A_156, %get3A_156, %get3A_156, %get3A_156, %get3A_156, %get3A_156, %get3A_156, %get3A_156, %get3A_156, %get3A_156, %get3A_156, %get3A_156, %get3A_156, %get3A_156, %get3A_156, %get3A_156, %get3A_156, %get3A_156, %get3A_156, %get3A_156, %get3A_156, %get3A_156, %get3A_156, %get3A_156, %get3A_156, %get3A_156, %get3A_156, %get3A_156, %get3A_156, %get3A_156, %get3A_156, %get3A_156, %get3A_156, %get3A_156, %get3A_156, %get3A_156, %get3A_156, %get3A_156, %get3A_156, %get3A_156, %get3A_156, %get3A_156, %get3A_156, %get3A_156 in 1 : vector<32x128xf32>, vector<32x128xf32>, vector<32x128xf32>, vector<32x128xf32>, vector<32x128xf32>, vector<32x128xf32>, vector<32x128xf32>, vector<32x128xf32>, vector<32x128xf32>, vector<32x128xf32>, vector<32x128xf32>, vector<32x128xf32>, vector<32x128xf32>, vector<32x128xf32>, vector<32x128xf32>, vector<32x128xf32>, vector<32x128xf32>, vector<32x128xf32>, vector<32x128xf32>, vector<32x128xf32>, vector<32x128xf32>, vector<32x128xf32>, vector<32x128xf32>, vector<32x128xf32>, vector<32x128xf32>, vector<32x128xf32>, vector<32x128xf32>, vector<32x128xf32>, vector<32x128xf32>, vector<32x128xf32>, vector<32x128xf32>, vector<32x128xf32>, vector<32x128xf32>, vector<32x128xf32>, vector<32x128xf32>, vector<32x128xf32>, vector<32x128xf32>, vector<32x128xf32>, vector<32x128xf32>, vector<32x128xf32>, vector<32x128xf32>, vector<32x128xf32>, vector<32x128xf32>, vector<32x128xf32>, vector<32x128xf32>, vector<32x128xf32>, vector<32x128xf32>, vector<32x128xf32>, vector<32x128xf32>, vector<32x128xf32>, vector<32x128xf32>, vector<32x128xf32>, vector<32x128xf32>, vector<32x128xf32>, vector<32x128xf32>, vector<32x128xf32>, vector<32x128xf32>, vector<32x128xf32>, vector<32x128xf32>, vector<32x128xf32>, vector<32x128xf32>, vector<32x128xf32>, vector<32x128xf32>, vector<32x128xf32> -> vector<32x8192xf32>
    %get3A_158 = arith.constant 0 : index
    %get3A_159 = arith.constant 7 : index
    %get3A_160 = arith.constant 0 : index
    %get3A_161 = vector.load %arg2[%get3A_158, %get3A_159, %get3A_160] : memref<32x8x8192xf32, #tpu.memory_space<vmem>>, vector<32x1x8192xf32>
    %get3A_162 = vector.shape_cast %get3A_161 : vector<32x1x8192xf32> to vector<32x8192xf32>
    %mul3A_163 = arith.mulf %concatenate3A_157, %get3A_162 : vector<32x8192xf32>
    %sub3A_164 = arith.constant 1.000000e+00 : f32
    %sub3A_165 = vector.broadcast %sub3A_164 : f32 to vector<32x8192xf32>
    %sub3A_166 = arith.subf %sub3A_165, %mul3A_163 : vector<32x8192xf32>
    %mul3A_167 = arith.mulf %mul3A_151, %sub3A_166 : vector<32x8192xf32>
    %mul3A_168 = arith.mulf %sub3A_41, %mul3A_167 : vector<32x8192xf32>
    %swap3A = arith.constant 0 : index
    %swap3A_169 = arith.constant 0 : index
    %swap3A_170 = vector.load %arg5[%swap3A, %swap3A_169] : memref<32x8192xf32, #tpu.memory_space<vmem>>, vector<32x8192xf32>
    tpu.vector_store %arg5[%swap3A, %swap3A_169], %mul3A_168 {strides = array<i32>} : memref<32x8192xf32, #tpu.memory_space<vmem>>, vector<32x8192xf32>,
    return
  }
  func.func @transform_0(%arg0: i32) -> (i32, i32, i32) {
    %add3A = arith.constant 8 : i32
    %add3A_0 = arith.addi %arg0, %add3A : i32
    %c0_i32 = arith.constant 0 : i32
    %c0_i32_1 = arith.constant 0 : i32
    %c0_i32_2 = arith.constant 0 : i32
    return %add3A_0, %c0_i32, %c0_i32_1 : i32, i32, i32
  }
  func.func @transform_1(%arg0: i32) -> (i32, i32, i32) {
    %add3A = arith.constant 8 : i32
    %add3A_0 = arith.addi %arg0, %add3A : i32
    %c0_i32 = arith.constant 0 : i32
    %c0_i32_1 = arith.constant 0 : i32
    %c0_i32_2 = arith.constant 0 : i32
    return %add3A_0, %c0_i32, %c0_i32_1 : i32, i32, i32
  }
  func.func @transform_2(%arg0: i32) -> (i32, i32) {
    %add3A = arith.constant 8 : i32
    %add3A_0 = arith.addi %arg0, %add3A : i32
    %c0_i32 = arith.constant 0 : i32
    %c0_i32_1 = arith.constant 0 : i32
    return %add3A_0, %c0_i32 : i32, i32
  }
  func.func @transform_3(%arg0: i32) -> (i32, i32, i32) {
    %add3A = arith.constant 8 : i32
    %add3A_0 = arith.addi %arg0, %add3A : i32
    %c0_i32 = arith.constant 0 : i32
    %c0_i32_1 = arith.constant 0 : i32
    %c0_i32_2 = arith.constant 0 : i32
    return %add3A_0, %c0_i32, %c0_i32_1 : i32, i32, i32
  }
  func.func @transform_4(%arg0: i32) -> (i32, i32) {
    %add3A = arith.constant 8 : i32
    %add3A_0 = arith.addi %arg0, %add3A : i32
    %c0_i32 = arith.constant 0 : i32
    %c0_i32_1 = arith.constant 0 : i32
    return %add3A_0, %c0_i32 : i32, i32
  }
}

</mosaic_0001>

<sc_bundles>
// kernel: kernel.4.cloned.1.call-start
scs
__scs_entry_jumppad:
0x0: {  	(pc) =	sbr.rel $0x88, $3  }
0x1: {  	(tag) =	ssettag $0x0;
	lr =	simm.s32 $0x1  }
0x2: {  	[smem:$0x3F9D] =	sst lr;
	_ =	strace $0xD0000000  }
0x3: {  	_ = 	snop  }
0x4: {  	_ = 	snop  }
0x5: {  	_ = 	snop  }
0x6: {  	_ = 	snop  }
0x7: {  	_ = 	snop  }
__scs_overlays_trampoline_lowered:
0x8: {  	[smem:$0x3FAC] =	sst s0  }
0x9: {  	[smem:$0x3FAD] =	sst s1  }
0xa: {  	[smem:$0x3FAE] =	sst s2  }
0xb: {  	[smem:$0x3FAF] =	sst s3  }
0xc: {  	[smem:$0x3FB0] =	sst s4  }
0xd: {  	[smem:$0x3FB1] =	sst s5  }
0xe: {  	[smem:$0x3FB2] =	sst s6  }
0xf: {  	[smem:$0x3FB3] =	sst s7  }
0x10: {  	[smem:$0x3FB4] =	sst s8  }
0x11: {  	[smem:$0x3FB5] =	sst s9;
	s0 =	simm.s32 @!p0 $0x0  }
0x12: {  	s1 =	sld [smem:$0x3F9B];
	s0 =	simm.s32 @p0 $0x1  }
0x13: {  	[smem:$0x3FB6] =	sst s0;
	s0 =	simm.s32 @!p1 $0x0  }
0x14: {  	s2 =	sld [smem:$0x3F9A];
	s0 =	simm.s32 @p1 $0x1  }
0x15: {  	[smem:$0x3FB7] =	sst s0;
	s0 =	simm.s32 @!p2 $0x0  }
0x16: {  	s3 =	sld [smem:$0x3FDB];
	s0 =	simm.s32 @p2 $0x1  }
0x17: {  	s4 =	simm.s32 $0x1BF5;
	[smem:$0x3FB9] =	sst s0  }
0x18: {  	s0 =	sld [smem:$0x3F9C];
	_ =	swait.ge [sflag:s4], $0x0  }
0x19: {  	s7 =	sld [smem:$0x3F9D]  }
0x1a: {  	s8 =	sadd.s32 $0xFFFFE003, lr  }
0x1b: {  	s9 =	sadd.s32 $0xFFFFFEF7, lr;
	s5 =	simm.s32 $0xFFFFFFFF;
	p2 =	slt.u32 s8, $0xFFFFF086  }
0x1c: {  	p1 =	slt.u32 s9, $0xF7A;
	s5 =	simm.s32 @!p2 $0x0  }
0x1d: {  	s5 =	simm.s32 @p1 $0x1;
	p0 =	seq.s32 s7, s2  }
0x1e: {  	s7 =	smul.u32 @!p0 $0xF7A, s2;
	p2 =	seq.s32 @!p0 s5, $0x0  }
0x1f: {  	s9 =	smul.u32 $0xF7A, s1;
	s8 =	simm.s32 @!p0 $0x1BF5;
	p2 =	por !p2, p0  }
0x20: {  	[sflag:s8] =	ssyncset.s32 @!p0 $0xFFFFF086;
	s6 =	sadd.s32 @!p0 s3, s7;
	s7 =	simm.s32 @!p0 $0x108  }
0x21: {  	s3 =	sadd.s32 s3, s9;
	s6 =	sadd.s32 @!p0 $0x88, s6;
	s7 =	simm.s32 @p2 $0x1082  }
0x22: {  	[simem:s7], [sflag:s8] =	dma.local @!p0 [hbm:s6], $0xF7A  }
0x23: {  	s9 =	sor.u32 $0xD0000000, s2;
	s6 =	simm.s32 $0x108;
	_ =	swait.ge @!p0 [sflag:s8], $0x0  }
0x24: {  	s3 =	sadd.s32 $0x88, s3;
	s6 =	simm.s32 @!p1 $0x1082;
	[sflag:s4] =	ssyncset.s32 $0xFFFFF086  }
0x25: {  	[simem:s6], [sflag:s4] =	dma.local [hbm:s3], $0xF7A  }
0x26: {  	[smem:$0x3F9D] =	sst s1;
	(tag) =	ssettag s2;
	_ =	strace s9  }
0x27: {  	s1 =	sld [smem:$0x3FAD]  }
0x28: {  	s2 =	sld [smem:$0x3FAE]  }
0x29: {  	s4 =	sld [smem:$0x3FB0]  }
0x2a: {  	p0 =	seq.s32 s5, $0x0;
	s5 =	sld [smem:$0x3FB1]  }
0x2b: {  	s6 =	sld [smem:$0x3FB2]  }
0x2c: {  	s7 =	sld [smem:$0x3FB3]  }
0x2d: {  	s3 =	simm.s32 $0x108;
	s8 =	sld [smem:$0x3FB4]  }
0x2e: {  	s3 =	simm.s32 @!p0 $0x1082;
	s9 =	sld [smem:$0x3FB5]  }
0x2f: {  	lr =	sadd.s32 s0, s3;
	s0 =	sld [smem:$0x3FAC]  }
0x30: {  	s3 =	sld [smem:$0x3FAF]  }
0x31: {  	[smem:$0x3FB8] =	sst s10  }
0x32: {  	s10 =	sld [smem:$0x3FB6];
	_ =	sdelay $0x3  }
0x33: {  	p0 =	seq.s32 s10, $0x1;
	s10 =	sld [smem:$0x3FB8];
	_ =	sdelay $0x3  }
0x34: {  	[smem:$0x3FB8] =	sst s10  }
0x35: {  	s10 =	sld [smem:$0x3FB7];
	_ =	sdelay $0x3  }
0x36: {  	p1 =	seq.s32 s10, $0x1;
	s10 =	sld [smem:$0x3FB8];
	_ =	sdelay $0x3  }
0x37: {  	[smem:$0x3FB8] =	sst s10  }
0x38: {  	s10 =	sld [smem:$0x3FB9]  }
0x39: {  	_ = 	snop;
	(pc) =	sbr.ind lr, $3  }
0x3a: {  	_ = 	snop  }
0x3b: {  	_ = 	snop  }
0x3c: {  	p2 =	seq.s32 s10, $0x1;
	s10 =	sld [smem:$0x3FB8]  }
0x3d: {  	_ =	shalt  }
0x3e: {  	_ =	shalt  }
0x3f: {  	_ =	shalt  }
0x40: {  	_ =	shalt  }
0x41: {  	_ =	shalt  }
0x42: {  	_ =	shalt  }
0x43: {  	_ =	shalt  }
0x44: {  	_ =	shalt  }
0x45: {  	_ =	shalt  }
0x46: {  	_ =	shalt  }
0x47: {  	_ =	shalt  }
0x48: {  	_ =	shalt  }
0x49: {  	_ =	shalt  }
0x4a: {  	_ =	shalt  }
0x4b: {  	_ =	shalt  }
0x4c: {  	_ =	shalt  }
0x4d: {  	_ =	shalt  }
0x4e: {  	_ =	shalt  }
0x4f: {  	_ =	shalt  }
0x50: {  	_ =	shalt  }
0x51: {  	_ =	shalt  }
0x52: {  	_ =	shalt  }
0x53: {  	_ =	shalt  }
0x54: {  	_ =	shalt  }
0x55: {  	_ =	shalt  }
0x56: {  	_ =	shalt  }
0x57: {  	_ =	shalt  }
0x58: {  	_ =	shalt  }
0x59: {  	_ =	shalt  }
0x5a: {  	_ =	shalt  }
0x5b: {  	_ =	shalt  }
0x5c: {  	_ =	shalt  }
0x5d: {  	_ =	shalt  }
0x5e: {  	_ =	shalt  }
0x5f: {  	_ =	shalt  }
0x60: {  	_ =	shalt  }
0x61: {  	_ =	shalt  }
0x62: {  	_ =	shalt  }
0x63: {  	_ =	shalt  }
0x64: {  	_ =	shalt  }
0x65: {  	_ =	shalt  }
0x66: {  	_ =	shalt  }
0x67: {  	_ =	shalt  }
0x68: {  	_ =	shalt  }
0x69: {  	_ =	shalt  }
0x6a: {  	_ =	shalt  }
0x6b: {  	_ =	shalt  }
0x6c: {  	_ =	shalt  }
0x6d: {  	_ =	shalt  }
0x6e: {  	_ =	shalt  }
0x6f: {  	_ =	shalt  }
0x70: {  	_ =	shalt  }
0x71: {  	_ =	shalt  }
0x72: {  	_ =	shalt  }
0x73: {  	_ =	shalt  }
0x74: {  	_ =	shalt  }
0x75: {  	_ =	shalt  }
0x76: {  	_ =	shalt  }
0x77: {  	_ =	shalt  }
0x78: {  	_ =	shalt  }
0x79: {  	_ =	shalt  }
0x7a: {  	_ =	shalt  }
0x7b: {  	_ =	shalt  }
0x7c: {  	_ =	shalt  }
0x7d: {  	_ =	shalt  }
0x7e: {  	_ =	shalt  }
0x7f: {  	_ =	shalt  }
0x80: {  	_ =	shalt  }
0x81: {  	_ =	shalt  }
0x82: {  	_ =	shalt  }
0x83: {  	_ =	shalt  }
0x84: {  	_ =	shalt  }
0x85: {  	_ =	shalt  }
0x86: {  	_ =	shalt  }
0x87: {  	_ =	shalt  }
.Lfunc_end0:
.L_simem_size_0:
called_computation_lowered:
.L_overlay_start_0:
0x88: {  	s2 =	sld [smem:$0x3FD9]  }
0x89: {  	s3 =	sld [smem:$0x3FFE];
	_ =	sdelay $0x1  }
0x8a: {  	s1 =	srdreg.scid  }
0x8b: {  	s0 =	sand.u32 $0x1, s1  }
0x8c: {  	s17 =	sshll.u32 s0, $0xA;
	s2 =	sadd.s32 s3, s2  }
0x8d: {  	s2 =	sadd.s32 s2, s17  }
0x8e: {  	[smem:$0x3FC4] =	sst s2  }
0x8f: {  	_ = 	snop  }
0x90: {  	s2 =	sld [smem:$0x3FC9]  }
0x91: {  	s18 =	sld [smem:$0x3FC8]  }
0x92: {  	s4 =	sld [smem:$0x3FC7];
	(tm) =	ssettm $0x1  }
0x93: {  	s5 =	sld [smem:$0x3FFB];
	_ =	sdelay $0x3  }
0x94: {  	_ =	strace s5  }
0x95: {  	s5 =	sld [smem:$0x3FFC];
	_ =	sdelay $0x3  }
0x96: {  	_ =	strace s5  }
0x97: {  	s5 =	sld [smem:$0x3FFD];
	_ =	sdelay $0x3  }
0x98: {  	_ =	strace s5  }
0x99: {  	_ =	strace $0x8FFFFFFF  }
0x9a: {  	s19 =	sld [smem:$0x3FDB];
	_ =	sdelay $0x1  }
0x9b: {  	s6 =	simm.s32 $_scs_section_size  }
0x9c: {  	s7 =	simm.s32 $_size__tile_overlayer_lowered;
	s8 =	simm.s32 $_tile_overlayer_lowered  }
0x9d: {  	s22 =	simm.s32 $0x1BFF;
	s21 =	sshll.u32 s8, $0x1;
	s5 =	sadd.s32 s6, s19  }
0x9e: {  	s9 =	simm.s32 $0x0;
	s20 =	sshll.u32 s7, $0x1;
	s7 =	sadd.s32 s21, s5  }
0x9f: {  	[timem:s9], [sflag:s22] =	dma.local [hbm:s7], s20  }
0xa0: {  	_ =	swait.ge [sflag:s22], s20  }
0xa1: {  	s6 =	ssub.s32 $0x0, s20;
	[sflag:s22] =	ssyncset.done $0x0  }
0xa2: {  	[sflag:s22] =	ssyncadd.s32 s6;
	_ =	sdelay $0x1  }
0xa3: {  	s23 =	simm.s32 $0x1B8B  }
0xa4: {  	_ =	swait.ge [sflag:s23], $0x1  }
0xa5: {  	[sflag:s23] =	ssyncset.done $0x0  }
0xa6: {  	s25 =	simm.s32 $0x1B8E;
	s24 =	sld [smem:$0x3FFE];
	[sflag:s23] =	ssyncadd.s32 $0xFFFFFFFF  }
0xa7: {  	s26 =	simm.s32 $execute0_lowered;
	[smem:$0x3FD2] =	sst s25  }
0xa8: {  	s7 =	sshll.u32 s26, $0x1;
	_ =	strace $0x80000046;
	[dreg:$0x1] =	wrdreg $0xFFFFFFFF  }
0xa9: {  	s28 =	simm.s32 $_size_execute0_lowered;
	s5 =	sadd.s32 s5, s7;
	[dreg:$0x0] =	wrdreg $0x0  }
0xaa: {  	s7 =	sshll.u32 s28, $0x1;
	[dreg:$0x2] =	wrdreg s5  }
0xab: {  	[dreg:$0x3] =	wrdreg s7  }
0xac: {  	[dreg:$0x4] =	wrdreg $0xC0  }
0xad: {  	_ =	task [dreg:s9], $0x5FFFF  }
0xae: {  	[dreg:$0x1] =	wrdreg $0xFFFFFFFF  }
0xaf: {  	[dreg:$0x0] =	wrdreg $0x60  }
0xb0: {  	[dreg:$0x2] =	wrdreg s2  }
0xb1: {  	[dreg:$0x3] =	wrdreg s18  }
0xb2: {  	[dreg:$0x4] =	wrdreg s4  }
0xb3: {  	[dreg:$0x5] =	wrdreg s24  }
0xb4: {  	[dreg:$0x6] =	wrdreg $0x9  }
0xb5: {  	_ =	task.clear_ibuf [dreg:s9], $0x7FFFF;
	_ =	strace $0x90000046  }
0xb6: {  	s29 =	simm.s32 $0x9;
	_ =	strace $0x80000048  }
0xb7: {  	_ =	swait.ge [sflag:s29], $0x1  }
0xb8: {  	[sflag:s29] =	ssyncadd.s32 $0xFFFFFFFF  }
0xb9: {  	_ =	strace $0x90000048  }
0xba: {  	_ =	sfence  }
0xbb: {  	s30 =	sld [smem:$0x0];
	_ =	sdelay $0x2  }
0xbc: {  	s31 =	sshll.u32 s1, $0xD;
	s1 =	sshrl.u32 s1, $0x2  }
0xbd: {  	s3 =	sand.u32 $0x4000, s31;
	s1 =	sadd.s32 s1, s30  }
0xbe: {  	s0 =	sor.u32 s3, s0;
	s1 =	sshll.u32 s1, $0x11  }
0xbf: {  	s0 =	sor.u32 s1, s0  }
0xc0: {  	s0 =	sadd.s32 $0x8F2B, s0  }
0xc1: {  	[sflag:s0] =	ssyncadd.remote.s32 $0x1  }
0xc2: {  	_ =	sfence.sel $0xFFFF  }
0xc3: {  	[dreg:$0x0] =	wrdreg $0xFFFFFFFF;
	(pc) =	sbr.abs _section_cstart, $3  }
0xc4: {  	[dreg:$0x1] =	wrdreg $0xFFFFFFFF  }
0xc5: {  	_ =	task.clear_ibuf [dreg:s9], $0x2FFFF;
	_ =	strace $0x9FFFFFFF  }
0xc6: {  	(tm) =	ssettm $0x7FFFFFFF  }
0xc7: {  	_ =	shalt  }
tec
execute0_lowered:
.L_overlay_start_1:
0x0: {  	(tag) =	ssettag $0x1  }
0x1: {  	s1 =	rddreg [dreg:$0x0]  }
0x2: {  	s2 =	rddreg [dreg:$0x1]  }
0x3: {  	s4 =	rddreg [dreg:$0x2];
	s0 =	srdreg.scid  }
0x4: {  	s5 =	stileid.u32;
	s3 =	rddreg [dreg:$0x3];
	s19 =	simm.s32 $0x400  }
0x5: {  	s21 =	simm.s32 $0x80;
	s23 =	simm.s32 $0x4400;
	s24 =	simm.s32 $0x10400  }
0x6: {  	s25 =	simm.s32 $0x19400;
	s26 =	simm.s32 $0x1;
	s28 =	simm.s32 $0x1A400  }
0x7: {  	s29 =	simm.s32 $0x2;
	s30 =	simm.s32 $0x1B400;
	s0 =	sand.u32 $0x1, s0  }
0x8: {  	s6 =	sshll.u32 s5, $0x1;
	s5 =	simm.s32 $0x0;
	s13 =	sadd.s32 $0x800, s1  }
0x9: {  	s14 =	sadd.s32 $0x1000, s2;
	s16 =	sadd.s32 $0x2600, s3;
	s8 =	sor.u32 s0, s6  }
0xa: {  	[smem:$0x7FF] =	sst s5;
	s0 =	ssub.s32 $0x2, s0;
	s6 =	sshll.u32 s8, $0x7  }
0xb: {  	_ =	strace $0x80000047;
	s7 =	sshrl.u32 s0, $0x1;
	s10 =	sshll.u32 s8, $0xF  }
0xc: {  	s9 =	sadd.s32 s6, s3;
	s0 =	ssub.s32 s0, s7;
	s10 =	sadd.s32 s1, s10  }
0xd: {  	s7 =	sshll.u32 s8, $0x3;
	s9 =	sadd.s32 $0x600, s9;
	[dreg:$0x6] =	wrdreg s10  }
0xe: {  	s0 =	smax.u32 s0, $0x1;
	[dreg:$0x5] =	wrdreg s9;
	s9 =	sshll.u32 s8, $0x10  }
0xf: {  	s8 =	sshll.u32 s8, $0xD;
	[dreg:$0x9] =	wrdreg s0;
	s31 =	sadd.s32 s2, s9  }
0x10: {  	s6 =	sadd.s32 $0x1600, s3;
	s8 =	sadd.s32 s4, s8;
	[dreg:$0x7] =	wrdreg s31  }
0x11: {  	s0 =	simm.s32 $0x0;
	[dreg:$0x8] =	wrdreg s8;
	s15 =	sadd.s32 $0x1000, s8  }
.LBB2_1:
0x12: {  	s3 =	rddreg [dreg:$0x5];
	s17 =	simm.s32 $0x5  }
0x13: {  	[tilespmem:s5], [sflag:$0x5] =	stream.linear.gather [hbm4b:s3+s5], $0x400, $0x38;
	[tilespmem:$0x1C400] =	vst v63  }
0x14: {  	_ =	swait.ge [sflag:s17], $0x400  }
0x15: {  	[sflag:s17] =	ssyncset.done $0x0  }
0x16: {  	s18 =	rddreg [dreg:$0x6];
	[sflag:s17] =	ssyncadd.s32 $0xFFFFFC00  }
0x17: {  	[tilespmem:s19], [sflag:$0x1] =	stream.linear.gather [hbm4b:s18+s5], $0x4000, $0x38;
	[tilespmem:$0x1C400] =	vst v63  }
0x18: {  	s8 =	simm.s32 $0x8400;
	s20 =	rddreg [dreg:$0x7]  }
0x19: {  	[tilespmem:s8], [sflag:$0x1] =	stream.linear.gather [hbm4b:s20+s5], $0x8000, $0x38;
	[tilespmem:$0x1C400] =	vst v63  }
0x1a: {  	s31 =	simm.s32 $0x18400;
	s22 =	rddreg [dreg:$0x8];
	s20 =	simm.s32 $0x0  }
0x1b: {  	[tilespmem:s31], [sflag:$0x1] =	stream.strided.gather [hbm4b:s22+s21], $0x1000, s19, s21, $0x38;
	[tilespmem:$0x1C400] =	vst v63  }
.LBB2_2:
0x1c: {  	s3 =	sor.u32 s7, s20  }
0x1d: {  	s8 =	sshll.u32 s3, $0xC  }
0x1e: {  	s3 =	sshll.u32 s3, $0xD;
	s8 =	sadd.s32 s8, s13  }
0x1f: {  	[tilespmem:s23], [sflag:$0x2] =	stream.linear.gather [hbm4b:s8+s5], $0x4000, $0x38;
	[tilespmem:$0x1C400] =	vst v63  }
0x20: {  	s17 =	sshll.u32 s20, $0x4;
	s3 =	sadd.s32 s3, s14  }
0x21: {  	[tilespmem:s24], [sflag:$0x2] =	stream.linear.gather [hbm4b:s3+s5], $0x8000, $0x38;
	[tilespmem:$0x1C400] =	vst v63  }
0x22: {  	s3 =	sadd.s32 s17, s15  }
0x23: {  	[tilespmem:s25], [sflag:$0x2] =	stream.strided.gather [hbm4b:s3+s21], $0x1000, s19, s21, $0x38;
	[tilespmem:$0x1C400] =	vst v63  }
0x24: {  	_ =	swait.ge [sflag:s26], $0x4000  }
0x25: {  	[sflag:s26] =	ssyncset.done $0x0  }
0x26: {  	[sflag:s26] =	ssyncadd.s32 $0xFFFFC000  }
0x27: {  	_ =	swait.ge [sflag:s26], $0x8000  }
0x28: {  	[sflag:s26] =	ssyncset.done $0x0  }
0x29: {  	[sflag:s26] =	ssyncadd.s32 $0xFFFF8000  }
0x2a: {  	_ =	swait.ge [sflag:s26], $0x1000  }
0x2b: {  	p0 =	seq.s32 s20, $0x0;
	[sflag:s26] =	ssyncset.done $0x0  }
0x2c: {  	s3 =	simm.s32 @!p0 $0x3;
	[sflag:s26] =	ssyncadd.s32 $0xFFFFF000  }
0x2d: {  	_ =	swait.ge @!p0 [sflag:s3], $0x1000  }
0x2e: {  	s8 =	sshll.u32 s20, $0x7;
	[sflag:s3] =	ssyncset.done @!p0 $0x0  }
0x2f: {  	s22 =	sand.u32 $0x3FFFFF80, s8;
	[sflag:s3] =	ssyncadd.s32 @!p0 $0xFFFFF000  }
0x30: {  	v1 =	vld [tilespmem:s22+$0x0]  }
0x31: {  	v2 =	vld [tilespmem:s22+$0x10]  }
0x32: {  	v3 =	vld [tilespmem:s22+$0x20]  }
0x33: {  	v4 =	vld [tilespmem:s22+$0x30]  }
0x34: {  	v5 =	vld [tilespmem:s22+$0x40]  }
0x35: {  	v6 =	vld [tilespmem:s22+$0x50]  }
0x36: {  	v7 =	vld [tilespmem:s22+$0x60]  }
0x37: {  	s18 =	simm.s32 $0x8600;
	v0 =	vld [tilespmem:s22+$0x70]  }
0x38: {  	v8 =	vld [tilespmem:s18+$0xFFFFFE70]  }
0x39: {  	s10 =	simm.s32 $0x500;
	v9 =	vld [tilespmem:s18+$0xFFFFFEF0]  }
0x3a: {  	v10 =	vld [tilespmem:s10+$0xFFFFFF70]  }
0x3b: {  	v11 =	vld [tilespmem:s18+$0xFFFFFF70]  }
0x3c: {  	v12 =	vld [tilespmem:s10+$0xFFFFFFF0]  }
0x3d: {  	v13 =	vld [tilespmem:s18+$0xFFFFFFF0]  }
0x3e: {  	v14 =	vld [tilespmem:s10+$0x70]  }
0x3f: {  	v15 =	vld [tilespmem:s18+$0x70]  }
0x40: {  	v16 =	vld [tilespmem:s10+$0xF0]  }
0x41: {  	v17 =	vld [tilespmem:s18+$0xF0]  }
0x42: {  	s11 =	simm.s32 $0x18440;
	v18 =	vld [tilespmem:s18+$0x170]  }
0x43: {  	v19 =	vld [tilespmem:s11+$0x30]  }
0x44: {  	v20 =	vld [tilespmem:s18+$0x1F0]  }
0x45: {  	v21 =	vld [tilespmem:s18+$0xFFFFFE00]  }
0x46: {  	v25 =	vld [tilespmem:s18+$0xFFFFFE20]  }
0x47: {  	v26 =	vld [tilespmem:s18+$0xFFFFFEA0]  }
0x48: {  	v27 =	vld [tilespmem:s18+$0xFFFFFE30]  }
0x49: {  	v28 =	vld [tilespmem:s18+$0xFFFFFEB0]  }
0x4a: {  	v31 =	vld [tilespmem:s18+$0xFFFFFF80]  }
0x4b: {  	v32 =	vld [tilespmem:s18+$0xFFFFFFA0]  }
0x4c: {  	v33 =	vld [tilespmem:s18+$0x0]  }
0x4d: {  	v34 =	vld [tilespmem:s18+$0x20];
	v8 =	vmul.f32 v8, v1;
	v9 =	vmul.f32 v9, v2  }
0x4e: {  	v22 =	vld [tilespmem:s18+$0xFFFFFE80];
	v11 =	vmul.f32 v11, v3;
	v10 =	vsub.f32 $1.000000000e+00, v10;
	v25 =	vmul.f32 v25, v1  }
0x4f: {  	v23 =	vld [tilespmem:s18+$0xFFFFFE10];
	v12 =	vsub.f32 $1.000000000e+00, v12;
	v26 =	vmul.f32 v26, v2;
	v27 =	vmul.f32 v27, v1  }
0x50: {  	v24 =	vld [tilespmem:s18+$0xFFFFFE90];
	v14 =	vsub.f32 $1.000000000e+00, v14;
	v28 =	vmul.f32 v28, v2;
	v31 =	vmul.f32 v31, v4  }
0x51: {  	v29 =	vld [tilespmem:s18+$0xFFFFFEC0];
	v16 =	vsub.f32 $1.000000000e+00, v16;
	v32 =	vmul.f32 v32, v4;
	v33 =	vmul.f32 v33, v5  }
0x52: {  	v30 =	vld [tilespmem:s18+$0xFFFFFED0];
	v34 =	vmul.f32 v34, v5;
	v8 =	vsub.f32 $1.000000000e+00, v8;
	v10 =	vmul.f32 v12, v10  }
0x53: {  	v52 =	vld [tilespmem:s10+$0xFFFFFF90];
	v9 =	vsub.f32 $1.000000000e+00, v9;
	v12 =	vmul.f32 v18, v7;
	v14 =	vmul.f32 v16, v14  }
0x54: {  	v54 =	vld [tilespmem:s10+$0xA0];
	v16 =	vsub.f32 $1.000000000e+00, v19;
	v19 =	vmul.f32 v20, v0;
	v25 =	vsub.f32 $1.000000000e+00, v25  }
0x55: {  	v18 =	vld [tilespmem:s18+$0xFFFFFEE0];
	v26 =	vsub.f32 $1.000000000e+00, v26;
	v31 =	vsub.f32 $1.000000000e+00, v31;
	v8 =	vmul.f32 v9, v8  }
0x56: {  	v55 =	vld [tilespmem:s10+$0xFFFFFF30];
	v9 =	vsub.f32 $1.000000000e+00, v11;
	v11 =	vmul.f32 v13, v4;
	v10 =	vmul.f32 v14, v10  }
0x57: {  	v20 =	vld [tilespmem:s18+$0xFFFFFF10];
	v33 =	vsub.f32 $1.000000000e+00, v33;
	v14 =	vmul.f32 v21, v1;
	v21 =	vmul.f32 v22, v2  }
0x58: {  	v53 =	vsub.f32 $1.000000000e+00, v34;
	v13 =	vld [tilespmem:s18+$0xFFFFFE40];
	v25 =	vmul.f32 v26, v25;
	v8 =	vmul.f32 v9, v8  }
0x59: {  	v22 =	vld [tilespmem:s18+$0xFFFFFF30];
	v9 =	vsub.f32 $1.000000000e+00, v11;
	v11 =	vmul.f32 v15, v5;
	v10 =	vmul.f32 v10, v16  }
0x5a: {  	v15 =	vld [tilespmem:s18+$0xFFFFFE50];
	v14 =	vsub.f32 $1.000000000e+00, v14;
	v21 =	vsub.f32 $1.000000000e+00, v21;
	v18 =	vmul.f32 v18, v2  }
0x5b: {  	v26 =	vld [tilespmem:s18+$0xFFFFFFD0];
	v8 =	vmul.f32 v9, v8;
	v9 =	vsub.f32 $1.000000000e+00, v11;
	v11 =	vmul.f32 v17, v6  }
0x5c: {  	v20 =	vmul.f32 v20, v3;
	v17 =	vld [tilespmem:s18+$0xFFFFFE60];
	v10 =	vsub.f32 $1.000000000e+00, v10;
	v14 =	vmul.f32 v21, v14  }
0x5d: {  	v21 =	vsub.f32 $1.000000000e+00, v27;
	v27 =	vld [tilespmem:s18+$0xFFFFFFB0];
	v8 =	vmul.f32 v9, v8;
	v9 =	vsub.f32 $1.000000000e+00, v11  }
0x5e: {  	v13 =	vmul.f32 v13, v1;
	v18 =	vsub.f32 $1.000000000e+00, v18;
	v20 =	vsub.f32 $1.000000000e+00, v20;
	v11 =	vld [tilespmem:s18+$0xFFFFFF00]  }
0x5f: {  	v35 =	vld [tilespmem:s10+$0xB0];
	v15 =	vmul.f32 v15, v1;
	v8 =	vmul.f32 v9, v8;
	v9 =	vsub.f32 $1.000000000e+00, v12  }
0x60: {  	v22 =	vmul.f32 v22, v3;
	v26 =	vmul.f32 v26, v4;
	v13 =	vsub.f32 $1.000000000e+00, v13;
	v12 =	vld [tilespmem:s18+$0xFFFFFF20]  }
0x61: {  	v56 =	vld [tilespmem:s18+$0xC0];
	v15 =	vsub.f32 $1.000000000e+00, v15;
	v17 =	vmul.f32 v17, v1;
	v8 =	vmul.f32 v9, v8  }
0x62: {  	v57 =	vld [tilespmem:s10+$0xFFFFFF50];
	v9 =	vsub.f32 $1.000000000e+00, v19;
	v19 =	vmul.f32 v23, v1;
	v23 =	vmul.f32 v24, v2  }
0x63: {  	v16 =	vld [tilespmem:s18+$0xFFFFFF40];
	v27 =	vmul.f32 v27, v4;
	v11 =	vmul.f32 v11, v3;
	v17 =	vsub.f32 $1.000000000e+00, v17  }
0x64: {  	v59 =	vld [tilespmem:s10+$0xE0];
	v8 =	vmul.f32 v9, v8;
	v19 =	vsub.f32 $1.000000000e+00, v19;
	v23 =	vsub.f32 $1.000000000e+00, v23  }
0x65: {  	v24 =	vld [tilespmem:s18+$0xFFFFFF50];
	v11 =	vsub.f32 $1.000000000e+00, v11;
	v12 =	vmul.f32 v12, v3;
	v17 =	vmul.f32 v18, v17  }
0x66: {  	v9 =	vld [tilespmem:s18+$0xFFFFFF60];
	v19 =	vmul.f32 v23, v19;
	v23 =	vsub.f32 $1.000000000e+00, v28;
	v28 =	vmul.f32 v29, v2  }
0x67: {  	v18 =	vld [tilespmem:s18+$0x40];
	v8 =	vmul.f32 v8, v10;
	v14 =	vmul.f32 v11, v14;
	v11 =	vsub.f32 $1.000000000e+00, v12  }
0x68: {  	v10 =	vld [tilespmem:s18+$0xFFFFFF90];
	v12 =	vmul.f32 v16, v3;
	v21 =	vmul.f32 v23, v21;
	v23 =	vsub.f32 $1.000000000e+00, v28  }
0x69: {  	v29 =	vld [tilespmem:s18+$0xFFFFFFC0];
	v28 =	vmul.f32 v30, v2;
	v19 =	vmul.f32 v20, v19;
	v20 =	vsub.f32 $1.000000000e+00, v22  }
0x6a: {  	v16 =	vld [tilespmem:s18+$0x50];
	v22 =	vmul.f32 v24, v3;
	v25 =	vmul.f32 v11, v25;
	v12 =	vsub.f32 $1.000000000e+00, v12  }
0x6b: {  	v30 =	vld [tilespmem:s18+$0xFFFFFFE0];
	v9 =	vmul.f32 v9, v3;
	v14 =	vmul.f32 v31, v14;
	v31 =	vsub.f32 $1.000000000e+00, v32  }
0x6c: {  	v24 =	vld [tilespmem:s18+$0x60];
	v32 =	vsub.f32 $1.000000000e+00, v52;
	v13 =	vmul.f32 v23, v13;
	v20 =	vmul.f32 v20, v21  }
0x6d: {  	v11 =	vld [tilespmem:s10+$0xFFFFFF80];
	v23 =	vsub.f32 $1.000000000e+00, v28;
	v18 =	vmul.f32 v18, v5;
	v10 =	vmul.f32 v10, v4  }
0x6e: {  	v28 =	vld [tilespmem:s18+$0x10];
	v21 =	vsub.f32 $1.000000000e+00, v22;
	v29 =	vmul.f32 v29, v4;
	v25 =	vmul.f32 v31, v25  }
0x6f: {  	v22 =	vld [tilespmem:s10+$0x0];
	v9 =	vsub.f32 $1.000000000e+00, v9;
	v14 =	vmul.f32 v33, v14;
	v15 =	vmul.f32 v23, v15  }
0x70: {  	v31 =	vld [tilespmem:s10+$0x90];
	v12 =	vmul.f32 v12, v13;
	v16 =	vmul.f32 v16, v5;
	v18 =	vsub.f32 $1.000000000e+00, v18  }
0x71: {  	v23 =	vld [tilespmem:s18+$0x30];
	v10 =	vsub.f32 $1.000000000e+00, v10;
	v9 =	vmul.f32 v9, v17;
	v30 =	vmul.f32 v30, v4  }
0x72: {  	v13 =	vld [tilespmem:s10+$0x80];
	v29 =	vsub.f32 $1.000000000e+00, v29;
	v25 =	vmul.f32 v53, v25;
	v24 =	vmul.f32 v24, v5  }
0x73: {  	v17 =	vld [tilespmem:s10+$0xFFFFFF10];
	v15 =	vmul.f32 v21, v15;
	v10 =	vmul.f32 v10, v19;
	v19 =	vsub.f32 $1.000000000e+00, v27  }
0x74: {  	v21 =	vld [tilespmem:s18+$0x80];
	v16 =	vsub.f32 $1.000000000e+00, v16;
	v28 =	vmul.f32 v28, v5;
	v12 =	vmul.f32 v29, v12  }
0x75: {  	v27 =	vld [tilespmem:s10+$0x10];
	v29 =	vsub.f32 $1.000000000e+00, v30;
	v22 =	vsub.f32 $1.000000000e+00, v22;
	v19 =	vmul.f32 v19, v20  }
0x76: {  	v30 =	vld [tilespmem:s10+$0xFFFFFF20];
	v20 =	vsub.f32 $1.000000000e+00, v26;
	v28 =	vsub.f32 $1.000000000e+00, v28;
	v23 =	vmul.f32 v23, v5  }
0x77: {  	v26 =	vld [tilespmem:s18+$0x90];
	v9 =	vmul.f32 v29, v9;
	v12 =	vmul.f32 v18, v12;
	v18 =	vsub.f32 $1.000000000e+00, v24  }
0x78: {  	v29 =	vld [tilespmem:s10+$0x20];
	v13 =	vsub.f32 $1.000000000e+00, v13;
	v17 =	vsub.f32 $1.000000000e+00, v17;
	v15 =	vmul.f32 v20, v15  }
0x79: {  	v20 =	vld [tilespmem:s10+$0xFFFFFFA0];
	v10 =	vmul.f32 v28, v10;
	v23 =	vsub.f32 $1.000000000e+00, v23;
	v21 =	vmul.f32 v21, v6  }
0x7a: {  	v28 =	vld [tilespmem:s18+$0xA0];
	v18 =	vmul.f32 v18, v9;
	v15 =	vmul.f32 v16, v15;
	v16 =	vsub.f32 $1.000000000e+00, v27  }
0x7b: {  	v24 =	vld [tilespmem:s10+$0x30];
	v13 =	vmul.f32 v13, v22;
	v27 =	vsub.f32 $1.000000000e+00, v31;
	v9 =	vsub.f32 $1.000000000e+00, v21  }
0x7c: {  	v17 =	vmul.f32 v32, v17;
	v19 =	vmul.f32 v23, v19;
	v23 =	vld [tilespmem:s10+$0xFFFFFFB0]  }
0x7d: {  	v22 =	vld [tilespmem:s10+$0xFFFFFFC0];
	v29 =	vsub.f32 $1.000000000e+00, v29;
	v16 =	vmul.f32 v27, v16;
	v14 =	vmul.f32 v9, v14  }
0x7e: {  	v31 =	vld [tilespmem:s18+$0xB0];
	v9 =	vmul.f32 v26, v6;
	v27 =	vsub.f32 $1.000000000e+00, v30;
	v20 =	vsub.f32 $1.000000000e+00, v20  }
0x7f: {  	v21 =	vld [tilespmem:s10+$0xFFFFFF40];
	v30 =	vsub.f32 $1.000000000e+00, v54;
	v28 =	vmul.f32 v28, v6;
	v16 =	vmul.f32 v16, v17  }
0x80: {  	v26 =	vld [tilespmem:s10+$0x40];
	v9 =	vsub.f32 $1.000000000e+00, v9;
	v20 =	vmul.f32 v20, v27;
	v27 =	vsub.f32 $1.000000000e+00, v55  }
0x81: {  	v17 =	vld [tilespmem:s10+$0xC0];
	v29 =	vmul.f32 v30, v29;
	v28 =	vsub.f32 $1.000000000e+00, v28;
	v23 =	vsub.f32 $1.000000000e+00, v23  }
0x82: {  	v30 =	vld [tilespmem:s10+$0xFFFFFFD0];
	v58 =	vmul.f32 v9, v10;
	v9 =	vsub.f32 $1.000000000e+00, v24;
	v10 =	vsub.f32 $1.000000000e+00, v35  }
0x83: {  	v24 =	vld [tilespmem:s10+$0x50];
	v29 =	vmul.f32 v29, v20;
	v20 =	vmul.f32 v28, v25  }
0x84: {  	v25 =	vld [tilespmem:s10+$0xD0];
	v23 =	vmul.f32 v23, v27;
	v9 =	vmul.f32 v10, v9  }
0x85: {  	v22 =	vsub.f32 $1.000000000e+00, v22;
	v21 =	vsub.f32 $1.000000000e+00, v21;
	v27 =	vmul.f32 v31, v6;
	v10 =	vld [tilespmem:s18+$0xD0]  }
0x86: {  	v28 =	vld [tilespmem:s10+$0xFFFFFF60];
	v17 =	vsub.f32 $1.000000000e+00, v17;
	v31 =	vmul.f32 v9, v23;
	v9 =	vsub.f32 $1.000000000e+00, v26  }
0x87: {  	v21 =	vmul.f32 v22, v21;
	v22 =	vmul.f32 v56, v6;
	v23 =	vld [tilespmem:s10+$0xFFFFFFE0];
	v26 =	vsub.f32 $1.000000000e+00, v27  }
0x88: {  	v30 =	vsub.f32 $1.000000000e+00, v30;
	v27 =	vld [tilespmem:s10+$0x60];
	v9 =	vmul.f32 v17, v9;
	v17 =	vsub.f32 $1.000000000e+00, v57  }
0x89: {  	v26 =	vmul.f32 v26, v19;
	v19 =	vsub.f32 $1.000000000e+00, v24;
	v24 =	vsub.f32 $1.000000000e+00, v25;
	v25 =	vld [tilespmem:s18+$0xE0]  }
0x8a: {  	v22 =	vsub.f32 $1.000000000e+00, v22;
	v10 =	vmul.f32 v10, v6;
	v9 =	vmul.f32 v9, v21;
	v21 =	vld [tilespmem:s10+$0xFFFFFF00]  }
0x8b: {  	v17 =	vmul.f32 v30, v17;
	v19 =	vmul.f32 v24, v19;
	v24 =	vld [tilespmem:s18+$0x100]  }
0x8c: {  	v12 =	vmul.f32 v22, v12;
	v22 =	vsub.f32 $1.000000000e+00, v28;
	v30 =	vld [tilespmem:s18+$0x110];
	v28 =	vsub.f32 $1.000000000e+00, v10  }
0x8d: {  	v23 =	vsub.f32 $1.000000000e+00, v23;
	v10 =	vmul.f32 v19, v17;
	v17 =	vsub.f32 $1.000000000e+00, v27;
	v19 =	vld [tilespmem:s18+$0x120]  }
0x8e: {  	v27 =	vmul.f32 v28, v15;
	v15 =	vsub.f32 $1.000000000e+00, v59;
	v28 =	vld [tilespmem:s18+$0x130];
	v25 =	vmul.f32 v25, v6  }
0x8f: {  	v11 =	vsub.f32 $1.000000000e+00, v11;
	v22 =	vmul.f32 v23, v22;
	v23 =	vld [tilespmem:s18+$0x140];
	v21 =	vsub.f32 $1.000000000e+00, v21  }
0x90: {  	v15 =	vmul.f32 v15, v17;
	v17 =	vmul.f32 v24, v7;
	v24 =	vld [tilespmem:s18+$0x150];
	v25 =	vsub.f32 $1.000000000e+00, v25  }
0x91: {  	v11 =	vmul.f32 v11, v21;
	v21 =	vmul.f32 v30, v7;
	v30 =	vld [tilespmem:s18+$0x160]  }
0x92: {  	v18 =	vmul.f32 v25, v18;
	v25 =	vld [tilespmem:s11+$0xFFFFFFC0];
	v17 =	vsub.f32 $1.000000000e+00, v17;
	v19 =	vmul.f32 v19, v7  }
0x93: {  	v28 =	vmul.f32 v28, v7;
	v60 =	vmul.f32 v13, v11;
	v13 =	vld [tilespmem:s18+$0x180];
	v21 =	vsub.f32 $1.000000000e+00, v21  }
0x94: {  	v11 =	vmul.f32 v15, v22;
	v15 =	vld [tilespmem:s11+$0xFFFFFFD0];
	v19 =	vsub.f32 $1.000000000e+00, v19;
	v22 =	vmul.f32 v23, v7  }
0x95: {  	v61 =	vld [tilespmem:s18+$0x190];
	v23 =	vmul.f32 v17, v14;
	v14 =	vsub.f32 $1.000000000e+00, v28;
	v17 =	vmul.f32 v24, v7  }
0x96: {  	v24 =	vld [tilespmem:s11+$0xFFFFFFE0];
	v21 =	vmul.f32 v21, v58;
	v22 =	vsub.f32 $1.000000000e+00, v22;
	v28 =	vmul.f32 v30, v7  }
0x97: {  	v19 =	vmul.f32 v19, v20;
	v20 =	vld [tilespmem:s18+$0x1A0];
	v25 =	vsub.f32 $1.000000000e+00, v25;
	v30 =	vsub.f32 $1.000000000e+00, v17  }
0x98: {  	v62 =	vld [tilespmem:s11+$0xFFFFFFF0];
	v17 =	vmul.f32 v14, v26;
	v13 =	vmul.f32 v13, v0;
	v26 =	vsub.f32 $1.000000000e+00, v28  }
0x99: {  	v63 =	vld [tilespmem:s18+$0x1B0];
	v28 =	vsub.f32 $1.000000000e+00, v15;
	v15 =	vmul.f32 v22, v12;
	v14 =	vmul.f32 v30, v27  }
0x9a: {  	v22 =	vmul.f32 v61, v0;
	v30 =	vld [tilespmem:s11+$0x0];
	v12 =	vsub.f32 $1.000000000e+00, v13;
	v13 =	vmul.f32 v26, v18  }
0x9b: {  	v24 =	vsub.f32 $1.000000000e+00, v24;
	v26 =	vmul.f32 v60, v25;
	v16 =	vmul.f32 v16, v28;
	v25 =	vld [tilespmem:s18+$0x1C0]  }
0x9c: {  	v27 =	vmul.f32 v20, v0;
	v18 =	vmul.f32 v12, v23;
	v12 =	vsub.f32 $1.000000000e+00, v22;
	v23 =	vld [tilespmem:s11+$0x10]  }
0x9d: {  	v20 =	vsub.f32 $1.000000000e+00, v26;
	v26 =	vmul.f32 v29, v24;
	v29 =	vsub.f32 $1.000000000e+00, v62;
	v22 =	vld [tilespmem:s18+$0x1D0]  }
0x9e: {  	s12 =	simm.s32 $0x1A440;
	s31 =	simm.s32 $0x0;
	v28 =	vmul.f32 v63, v0;
	v27 =	vsub.f32 $1.000000000e+00, v27;
	v24 =	vld [tilespmem:s11+$0x20];
	v12 =	vmul.f32 v12, v21  }
0x9f: {  	s17 =	sshll.u32 s20, $0x1;
	s3 =	simm.s32 $0x8A00;
	[tilespmem:s12+$0x30] =	vst v8;
	v8 =	vld [tilespmem:s18+$0x1E0];
	s18 =	simm.s32 $0x1A440;
	v21 =	vsub.f32 $1.000000000e+00, v16;
	v16 =	vmul.f32 v31, v29;
	v29 =	vsub.f32 $1.000000000e+00, v30  }
.LBB2_3:
0xa0: {  	v30 =	vld [tilespmem:s3+$0xFFFFFE70];
	v19 =	vmul.f32 v27, v19;
	v27 =	vsub.f32 $1.000000000e+00, v28;
	v25 =	vmul.f32 v25, v0  }
0xa1: {  	s31 =	sadd.s32 $0x8, s31;
	v26 =	vsub.f32 $1.000000000e+00, v26;
	s10 =	sadd.s32 $0x200, s10;
	v28 =	vld [tilespmem:s3+$0xFFFFFEF0];
	v9 =	vmul.f32 v9, v29;
	v23 =	vsub.f32 $1.000000000e+00, v23  }
0xa2: {  	p1 =	slt.u32 s31, $0xF8;
	v29 =	vld [tilespmem:s10+$0xFFFFFF70];
	v17 =	vmul.f32 v27, v17;
	v25 =	vsub.f32 $1.000000000e+00, v25;
	v22 =	vmul.f32 v22, v0  }
0xa3: {  	v16 =	vsub.f32 $1.000000000e+00, v16;
	v27 =	vld [tilespmem:s3+$0xFFFFFF70];
	v10 =	vmul.f32 v10, v23;
	v23 =	vsub.f32 $1.000000000e+00, v24  }
0xa4: {  	v24 =	vld [tilespmem:s10+$0xFFFFFFF0];
	v15 =	vmul.f32 v25, v15;
	v22 =	vsub.f32 $1.000000000e+00, v22;
	v25 =	vmul.f32 v8, v0  }
0xa5: {  	v32 =	vsub.f32 $1.000000000e+00, v9;
	v31 =	vld [tilespmem:s3+$0xFFFFFFF0];
	v8 =	vsub.f32 $1.000000000e+00, v10;
	v9 =	vmul.f32 v11, v23  }
0xa6: {  	v11 =	vmul.f32 v30, v1;
	v10 =	vld [tilespmem:s10+$0x70];
	v23 =	vmul.f32 v28, v2;
	v25 =	vsub.f32 $1.000000000e+00, v25  }
0xa7: {  	v18 =	vmul.f32 v18, v20;
	v14 =	vmul.f32 v22, v14;
	v28 =	vld [tilespmem:s3+$0x70];
	v9 =	vsub.f32 $1.000000000e+00, v9  }
0xa8: {  	v11 =	vsub.f32 $1.000000000e+00, v11;
	v20 =	vld [tilespmem:s10+$0xF0];
	v22 =	vsub.f32 $1.000000000e+00, v23;
	v23 =	vmul.f32 v27, v3  }
0xa9: {  	v12 =	vmul.f32 v12, v21;
	v13 =	vmul.f32 v25, v13;
	v27 =	vld [tilespmem:s3+$0xF0];
	[tilespmem:s12+$0xFFFFFFC0] =	vst v18  }
0xaa: {  	s11 =	sadd.s32 $0x80, s11;
	v11 =	vmul.f32 v22, v11;
	v18 =	vsub.f32 $1.000000000e+00, v23;
	v21 =	vmul.f32 v31, v4;
	v22 =	vld [tilespmem:s3+$0x170]  }
0xab: {  	v24 =	vsub.f32 $1.000000000e+00, v24;
	v23 =	vsub.f32 $1.000000000e+00, v29;
	v25 =	vld [tilespmem:s11+$0x30];
	[tilespmem:s12+$0xFFFFFFD0] =	vst v12;
	v12 =	vmul.f32 v19, v26  }
0xac: {  	v11 =	vmul.f32 v18, v11;
	v18 =	vsub.f32 $1.000000000e+00, v21;
	v19 =	vmul.f32 v28, v5;
	v21 =	vld [tilespmem:s3+$0x1F0]  }
0xad: {  	v10 =	vsub.f32 $1.000000000e+00, v10;
	v26 =	vld [tilespmem:s3+$0xFFFFFE00];
	v20 =	vsub.f32 $1.000000000e+00, v20;
	[tilespmem:s12+$0xFFFFFFE0] =	vst v12;
	v12 =	vmul.f32 v17, v16  }
0xae: {  	v16 =	vld [tilespmem:s3+$0xFFFFFE80];
	v11 =	vmul.f32 v18, v11;
	v17 =	vsub.f32 $1.000000000e+00, v19;
	v18 =	vmul.f32 v27, v6  }
0xaf: {  	v23 =	vmul.f32 v24, v23;
	v19 =	vld [tilespmem:s3+$0xFFFFFE10];
	v22 =	vmul.f32 v22, v7;
	[tilespmem:s12+$0xFFFFFFF0] =	vst v12  }
0xb0: {  	v10 =	vmul.f32 v20, v10;
	v12 =	vld [tilespmem:s3+$0xFFFFFE90];
	v11 =	vmul.f32 v17, v11;
	v17 =	vsub.f32 $1.000000000e+00, v18  }
0xb1: {  	v15 =	vmul.f32 v15, v32;
	v20 =	vsub.f32 $1.000000000e+00, v25;
	v18 =	vld [tilespmem:s3+$0xFFFFFE20];
	v21 =	vmul.f32 v21, v0  }
0xb2: {  	v10 =	vmul.f32 v10, v23;
	v24 =	vld [tilespmem:s3+$0xFFFFFEA0];
	v11 =	vmul.f32 v17, v11;
	v17 =	vsub.f32 $1.000000000e+00, v22  }
0xb3: {  	v22 =	vmul.f32 v26, v1;
	v16 =	vmul.f32 v16, v2;
	v23 =	vld [tilespmem:s3+$0xFFFFFE30];
	[tilespmem:s12+$0x0] =	vst v15  }
0xb4: {  	v10 =	vmul.f32 v10, v20;
	v15 =	vld [tilespmem:s3+$0xFFFFFEB0];
	v11 =	vmul.f32 v17, v11;
	v17 =	vsub.f32 $1.000000000e+00, v21  }
0xb5: {  	v20 =	vsub.f32 $1.000000000e+00, v22;
	v19 =	vmul.f32 v19, v1;
	v12 =	vmul.f32 v12, v2;
	v21 =	vld [tilespmem:s3+$0xFFFFFE40]  }
0xb6: {  	v10 =	vsub.f32 $1.000000000e+00, v10;
	v18 =	vmul.f32 v18, v1;
	v22 =	vld [tilespmem:s3+$0xFFFFFEC0];
	v11 =	vmul.f32 v17, v11  }
0xb7: {  	v16 =	vsub.f32 $1.000000000e+00, v16;
	v17 =	vsub.f32 $1.000000000e+00, v19;
	v19 =	vmul.f32 v24, v2;
	v24 =	vld [tilespmem:s3+$0xFFFFFE50]  }
0xb8: {  	v12 =	vsub.f32 $1.000000000e+00, v12;
	v23 =	vmul.f32 v23, v1;
	v25 =	vld [tilespmem:s3+$0xFFFFFED0];
	v10 =	vmul.f32 v11, v10  }
0xb9: {  	s12 =	sadd.s32 $0x80, s12;
	v11 =	vsub.f32 $1.000000000e+00, v18;
	v18 =	vsub.f32 $1.000000000e+00, v19;
	v15 =	vmul.f32 v15, v2;
	v19 =	vld [tilespmem:s3+$0xFFFFFE60]  }
0xba: {  	v16 =	vmul.f32 v16, v20;
	v20 =	vsub.f32 $1.000000000e+00, v23;
	v21 =	vmul.f32 v21, v1;
	v23 =	vld [tilespmem:s3+$0xFFFFFEE0];
	[tilespmem:s12+$0x30] =	vst v10  }
0xbb: {  	v12 =	vmul.f32 v12, v17;
	v10 =	vld [tilespmem:s3+$0xFFFFFF00];
	v15 =	vsub.f32 $1.000000000e+00, v15;
	v17 =	vmul.f32 v22, v2  }
0xbc: {  	v11 =	vmul.f32 v18, v11;
	v22 =	vld [tilespmem:s3+$0xFFFFFF10];
	v18 =	vsub.f32 $1.000000000e+00, v21;
	v21 =	vmul.f32 v24, v1  }
0xbd: {  	v24 =	vld [tilespmem:s3+$0xFFFFFF20];
	v15 =	vmul.f32 v15, v20;
	v17 =	vsub.f32 $1.000000000e+00, v17;
	v20 =	vmul.f32 v25, v2  }
0xbe: {  	v8 =	vmul.f32 v14, v8;
	v25 =	vld [tilespmem:s3+$0xFFFFFF30];
	v21 =	vsub.f32 $1.000000000e+00, v21;
	v19 =	vmul.f32 v19, v1  }
0xbf: {  	v14 =	vmul.f32 v17, v18;
	v17 =	vld [tilespmem:s3+$0xFFFFFF40];
	v18 =	vsub.f32 $1.000000000e+00, v20;
	v20 =	vmul.f32 v23, v2  }
0xc0: {  	v10 =	vmul.f32 v10, v3;
	v23 =	vld [tilespmem:s3+$0xFFFFFF50];
	v19 =	vsub.f32 $1.000000000e+00, v19;
	[tilespmem:s18+$0x10] =	vst v8;
	v8 =	vmul.f32 v13, v9  }
0xc1: {  	v9 =	vmul.f32 v22, v3;
	v13 =	vmul.f32 v18, v21;
	v18 =	vsub.f32 $1.000000000e+00, v20;
	v20 =	vld [tilespmem:s3+$0xFFFFFF60]  }
0xc2: {  	v10 =	vsub.f32 $1.000000000e+00, v10;
	v21 =	vld [tilespmem:s3+$0xFFFFFF80];
	v22 =	vmul.f32 v24, v3;
	[tilespmem:s18+$0x20] =	vst v8;
	s18 =	smov.u32 s12  }
0xc3: {  	v8 =	vsub.f32 $1.000000000e+00, v9;
	v9 =	vld [tilespmem:s3+$0xFFFFFF90];
	v24 =	vmul.f32 v25, v3;
	v18 =	vmul.f32 v18, v19  }
0xc4: {  	v10 =	vmul.f32 v10, v16;
	v16 =	vsub.f32 $1.000000000e+00, v22;
	v19 =	vld [tilespmem:s3+$0xFFFFFFA0];
	v17 =	vmul.f32 v17, v3  }
0xc5: {  	v8 =	vmul.f32 v8, v12;
	v12 =	vsub.f32 $1.000000000e+00, v24;
	v22 =	vld [tilespmem:s3+$0xFFFFFFB0];
	v23 =	vmul.f32 v23, v3  }
0xc6: {  	v11 =	vmul.f32 v16, v11;
	v16 =	vsub.f32 $1.000000000e+00, v17;
	v17 =	vld [tilespmem:s3+$0xFFFFFFC0];
	v20 =	vmul.f32 v20, v3  }
0xc7: {  	v21 =	vmul.f32 v21, v4;
	v12 =	vmul.f32 v12, v15;
	v15 =	vsub.f32 $1.000000000e+00, v23;
	v23 =	vld [tilespmem:s3+$0xFFFFFFD0]  }
0xc8: {  	v9 =	vmul.f32 v9, v4;
	v14 =	vmul.f32 v16, v14;
	v16 =	vsub.f32 $1.000000000e+00, v20;
	v20 =	vld [tilespmem:s3+$0xFFFFFFE0]  }
0xc9: {  	v21 =	vsub.f32 $1.000000000e+00, v21;
	v24 =	vld [tilespmem:s3+$0x0];
	v19 =	vmul.f32 v19, v4;
	v13 =	vmul.f32 v15, v13  }
0xca: {  	v9 =	vsub.f32 $1.000000000e+00, v9;
	v15 =	vld [tilespmem:s3+$0x10];
	v22 =	vmul.f32 v22, v4;
	v16 =	vmul.f32 v16, v18  }
0xcb: {  	v10 =	vmul.f32 v21, v10;
	v18 =	vsub.f32 $1.000000000e+00, v19;
	v19 =	vld [tilespmem:s3+$0x20];
	v17 =	vmul.f32 v17, v4  }
0xcc: {  	v8 =	vmul.f32 v9, v8;
	v9 =	vsub.f32 $1.000000000e+00, v22;
	v21 =	vld [tilespmem:s3+$0x30];
	v22 =	vmul.f32 v23, v4  }
0xcd: {  	v11 =	vmul.f32 v18, v11;
	v17 =	vsub.f32 $1.000000000e+00, v17;
	v18 =	vld [tilespmem:s3+$0x40];
	v20 =	vmul.f32 v20, v4  }
0xce: {  	v23 =	vmul.f32 v24, v5;
	v9 =	vmul.f32 v9, v12;
	v12 =	vsub.f32 $1.000000000e+00, v22;
	v22 =	vld [tilespmem:s3+$0x50]  }
0xcf: {  	v15 =	vmul.f32 v15, v5;
	v14 =	vmul.f32 v17, v14;
	v17 =	vsub.f32 $1.000000000e+00, v20;
	v20 =	vld [tilespmem:s3+$0x60]  }
0xd0: {  	v24 =	vld [tilespmem:s10+$0xFFFFFF80];
	v23 =	vsub.f32 $1.000000000e+00, v23;
	v19 =	vmul.f32 v19, v5;
	v12 =	vmul.f32 v12, v13  }
0xd1: {  	v13 =	vld [tilespmem:s10+$0x0];
	v15 =	vsub.f32 $1.000000000e+00, v15;
	v21 =	vmul.f32 v21, v5;
	v16 =	vmul.f32 v17, v16  }
0xd2: {  	v17 =	vld [tilespmem:s10+$0x80];
	v10 =	vmul.f32 v23, v10;
	v19 =	vsub.f32 $1.000000000e+00, v19;
	v18 =	vmul.f32 v18, v5  }
0xd3: {  	v23 =	vld [tilespmem:s3+$0x80];
	v25 =	vmul.f32 v15, v8;
	v8 =	vsub.f32 $1.000000000e+00, v21;
	v15 =	vmul.f32 v22, v5  }
0xd4: {  	v21 =	vld [tilespmem:s10+$0xFFFFFF10];
	v19 =	vmul.f32 v19, v11;
	v18 =	vsub.f32 $1.000000000e+00, v18;
	v20 =	vmul.f32 v20, v5  }
0xd5: {  	v11 =	vsub.f32 $1.000000000e+00, v24;
	v22 =	vld [tilespmem:s10+$0xFFFFFF90];
	v9 =	vmul.f32 v8, v9;
	v8 =	vsub.f32 $1.000000000e+00, v15  }
0xd6: {  	v13 =	vsub.f32 $1.000000000e+00, v13;
	v15 =	vld [tilespmem:s10+$0x10];
	v18 =	vmul.f32 v18, v14;
	v14 =	vsub.f32 $1.000000000e+00, v20  }
0xd7: {  	v17 =	vsub.f32 $1.000000000e+00, v17;
	v20 =	vld [tilespmem:s10+$0x90];
	v24 =	vmul.f32 v8, v12  }
0xd8: {  	v8 =	vmul.f32 v23, v6;
	v12 =	vld [tilespmem:s3+$0x90];
	v14 =	vmul.f32 v14, v16  }
0xd9: {  	v13 =	vmul.f32 v17, v13;
	v16 =	vsub.f32 $1.000000000e+00, v21;
	v17 =	vld [tilespmem:s10+$0xFFFFFF20]  }
0xda: {  	v8 =	vsub.f32 $1.000000000e+00, v8;
	v21 =	vsub.f32 $1.000000000e+00, v22;
	v22 =	vld [tilespmem:s10+$0xFFFFFFA0]  }
0xdb: {  	v23 =	vsub.f32 $1.000000000e+00, v15;
	v26 =	vld [tilespmem:s10+$0x20]  }
0xdc: {  	v15 =	vmul.f32 v8, v10;
	v8 =	vmul.f32 v21, v16;
	v10 =	vsub.f32 $1.000000000e+00, v20;
	v16 =	vld [tilespmem:s10+$0xA0]  }
0xdd: {  	v12 =	vmul.f32 v12, v6;
	v20 =	vld [tilespmem:s3+$0xA0]  }
0xde: {  	v10 =	vmul.f32 v10, v23;
	v17 =	vsub.f32 $1.000000000e+00, v17;
	v21 =	vld [tilespmem:s10+$0xFFFFFF30]  }
0xdf: {  	v12 =	vsub.f32 $1.000000000e+00, v12;
	v22 =	vsub.f32 $1.000000000e+00, v22;
	v23 =	vld [tilespmem:s10+$0xFFFFFFB0]  }
0xe0: {  	v8 =	vmul.f32 v10, v8;
	v10 =	vsub.f32 $1.000000000e+00, v26;
	v26 =	vld [tilespmem:s10+$0x30]  }
0xe1: {  	v25 =	vmul.f32 v12, v25;
	v12 =	vmul.f32 v22, v17;
	v16 =	vsub.f32 $1.000000000e+00, v16;
	v17 =	vld [tilespmem:s10+$0xB0]  }
0xe2: {  	v20 =	vmul.f32 v20, v6;
	v22 =	vld [tilespmem:s3+$0xB0]  }
0xe3: {  	v10 =	vmul.f32 v16, v10;
	v16 =	vsub.f32 $1.000000000e+00, v21;
	v21 =	vld [tilespmem:s10+$0xFFFFFF40]  }
0xe4: {  	v20 =	vsub.f32 $1.000000000e+00, v20;
	v23 =	vsub.f32 $1.000000000e+00, v23;
	v27 =	vld [tilespmem:s10+$0xFFFFFFC0]  }
0xe5: {  	v12 =	vmul.f32 v10, v12;
	v10 =	vsub.f32 $1.000000000e+00, v26;
	v26 =	vld [tilespmem:s10+$0x40]  }
0xe6: {  	v19 =	vmul.f32 v20, v19;
	v16 =	vmul.f32 v23, v16;
	v17 =	vsub.f32 $1.000000000e+00, v17;
	v20 =	vld [tilespmem:s10+$0xC0]  }
0xe7: {  	v22 =	vmul.f32 v22, v6;
	v23 =	vld [tilespmem:s3+$0xC0]  }
0xe8: {  	v10 =	vmul.f32 v17, v10;
	v17 =	vsub.f32 $1.000000000e+00, v21;
	v21 =	vld [tilespmem:s10+$0xFFFFFF50]  }
0xe9: {  	v22 =	vsub.f32 $1.000000000e+00, v22;
	v27 =	vsub.f32 $1.000000000e+00, v27;
	v28 =	vld [tilespmem:s10+$0xFFFFFFD0]  }
0xea: {  	v16 =	vmul.f32 v10, v16;
	v10 =	vsub.f32 $1.000000000e+00, v26;
	v26 =	vld [tilespmem:s10+$0x50]  }
0xeb: {  	v22 =	vmul.f32 v22, v9;
	v9 =	vmul.f32 v27, v17;
	v17 =	vsub.f32 $1.000000000e+00, v20;
	v20 =	vld [tilespmem:s10+$0xD0]  }
0xec: {  	v23 =	vmul.f32 v23, v6;
	v27 =	vld [tilespmem:s3+$0xD0]  }
0xed: {  	v10 =	vmul.f32 v17, v10;
	v17 =	vsub.f32 $1.000000000e+00, v21;
	v21 =	vld [tilespmem:s10+$0xFFFFFF60]  }
0xee: {  	v23 =	vsub.f32 $1.000000000e+00, v23;
	v28 =	vsub.f32 $1.000000000e+00, v28;
	v29 =	vld [tilespmem:s10+$0xFFFFFFE0]  }
0xef: {  	v9 =	vmul.f32 v10, v9;
	v10 =	vsub.f32 $1.000000000e+00, v26;
	v26 =	vld [tilespmem:s10+$0x60]  }
0xf0: {  	v18 =	vmul.f32 v23, v18;
	v17 =	vmul.f32 v28, v17;
	v20 =	vsub.f32 $1.000000000e+00, v20;
	v23 =	vld [tilespmem:s10+$0xE0]  }
0xf1: {  	v27 =	vmul.f32 v27, v6;
	v28 =	vld [tilespmem:s3+$0xE0]  }
0xf2: {  	v30 =	vld [tilespmem:s10+$0xFFFFFF00];
	v10 =	vmul.f32 v20, v10;
	v20 =	vsub.f32 $1.000000000e+00, v21  }
0xf3: {  	v21 =	vld [tilespmem:s3+$0x100];
	v27 =	vsub.f32 $1.000000000e+00, v27;
	v29 =	vsub.f32 $1.000000000e+00, v29  }
0xf4: {  	v31 =	vld [tilespmem:s3+$0x110];
	v10 =	vmul.f32 v10, v17;
	v17 =	vsub.f32 $1.000000000e+00, v26  }
0xf5: {  	v26 =	vld [tilespmem:s3+$0x120];
	v24 =	vmul.f32 v27, v24;
	v20 =	vmul.f32 v29, v20;
	v23 =	vsub.f32 $1.000000000e+00, v23  }
0xf6: {  	v27 =	vld [tilespmem:s3+$0x130];
	v28 =	vmul.f32 v28, v6  }
0xf7: {  	v29 =	vsub.f32 $1.000000000e+00, v30;
	v30 =	vld [tilespmem:s3+$0x140];
	v17 =	vmul.f32 v23, v17  }
0xf8: {  	v21 =	vmul.f32 v21, v7;
	v23 =	vld [tilespmem:s3+$0x150];
	v28 =	vsub.f32 $1.000000000e+00, v28  }
0xf9: {  	v11 =	vmul.f32 v11, v29;
	v29 =	vmul.f32 v31, v7;
	v31 =	vld [tilespmem:s3+$0x160]  }
0xfa: {  	v32 =	vld [tilespmem:s11+$0xFFFFFFC0];
	v21 =	vsub.f32 $1.000000000e+00, v21;
	v26 =	vmul.f32 v26, v7;
	v28 =	vmul.f32 v28, v14  }
0xfb: {  	v33 =	vmul.f32 v13, v11;
	v13 =	vld [tilespmem:s3+$0x180];
	v14 =	vsub.f32 $1.000000000e+00, v29;
	v27 =	vmul.f32 v27, v7  }
0xfc: {  	v11 =	vmul.f32 v17, v20;
	v29 =	vld [tilespmem:s11+$0xFFFFFFD0];
	v26 =	vsub.f32 $1.000000000e+00, v26;
	v30 =	vmul.f32 v30, v7  }
0xfd: {  	v20 =	vmul.f32 v21, v15;
	v21 =	vld [tilespmem:s3+$0x190];
	v15 =	vsub.f32 $1.000000000e+00, v27;
	v17 =	vmul.f32 v23, v7  }
0xfe: {  	v27 =	vmul.f32 v14, v25;
	v23 =	vld [tilespmem:s11+$0xFFFFFFE0];
	v14 =	vsub.f32 $1.000000000e+00, v30;
	v25 =	vmul.f32 v31, v7  }
0xff: {  	v19 =	vmul.f32 v26, v19;
	v30 =	vsub.f32 $1.000000000e+00, v32;
	v26 =	vld [tilespmem:s3+$0x1A0];
	v31 =	vsub.f32 $1.000000000e+00, v17  }
0x100: {  	v17 =	vmul.f32 v15, v22;
	v13 =	vmul.f32 v13, v0;
	v32 =	vld [tilespmem:s11+$0xFFFFFFF0];
	v22 =	vsub.f32 $1.000000000e+00, v25  }
0x101: {  	v15 =	vmul.f32 v14, v18;
	v25 =	vsub.f32 $1.000000000e+00, v29;
	v29 =	vld [tilespmem:s3+$0x1B0];
	v14 =	vmul.f32 v31, v24  }
0x102: {  	v18 =	vsub.f32 $1.000000000e+00, v13;
	v21 =	vmul.f32 v21, v0;
	v31 =	vld [tilespmem:s11+$0x0];
	v13 =	vmul.f32 v22, v28  }
.Ltmp0:
0x103: {  	v22 =	vmul.f32 v33, v30;
	v8 =	vmul.f32 v8, v25;
	v24 =	vsub.f32 $1.000000000e+00, v23;
	v25 =	vld [tilespmem:s3+$0x1C0];
	(pc) =	sbr.rel @p1 .LBB2_3-.Ltmp0, $4  }
0x104: {  	v18 =	vmul.f32 v18, v20;
	v21 =	vsub.f32 $1.000000000e+00, v21;
	v28 =	vmul.f32 v26, v0;
	v23 =	vld [tilespmem:s11+$0x10]  }
0x105: {  	v20 =	vsub.f32 $1.000000000e+00, v22;
	v26 =	vmul.f32 v12, v24;
	v30 =	vsub.f32 $1.000000000e+00, v32;
	v22 =	vld [tilespmem:s3+$0x1D0]  }
0x106: {  	v12 =	vmul.f32 v21, v27;
	v27 =	vsub.f32 $1.000000000e+00, v28;
	v28 =	vmul.f32 v29, v0;
	v24 =	vld [tilespmem:s11+$0x20]  }
0x107: {  	v21 =	vsub.f32 $1.000000000e+00, v8;
	v16 =	vmul.f32 v16, v30;
	v29 =	vsub.f32 $1.000000000e+00, v31;
	v8 =	vld [tilespmem:s3+$0x1E0];
	s3 =	sadd.s32 $0x400, s3  }
0x108: {  	v1 =	vmul.f32 v25, v0;
	v2 =	vmul.f32 v27, v19;
	v3 =	vsub.f32 $1.000000000e+00, v28  }
0x109: {  	v6 =	vsub.f32 $1.000000000e+00, v26;
	v4 =	vmul.f32 v9, v29;
	v5 =	vsub.f32 $1.000000000e+00, v23  }
0x10a: {  	v9 =	vsub.f32 $1.000000000e+00, v16;
	v12 =	vmul.f32 v12, v21;
	v3 =	vmul.f32 v3, v17  }
0x10b: {  	v1 =	vsub.f32 $1.000000000e+00, v1;
	v7 =	vmul.f32 v22, v0;
	v2 =	vmul.f32 v2, v6  }
0x10c: {  	v5 =	vmul.f32 v10, v5;
	v10 =	vsub.f32 $1.000000000e+00, v24;
	v0 =	vmul.f32 v8, v0  }
0x10d: {  	v4 =	vsub.f32 $1.000000000e+00, v4;
	v1 =	vmul.f32 v1, v15;
	v7 =	vsub.f32 $1.000000000e+00, v7  }
0x10e: {  	[tilespmem:s12+$0xFFFFFFD0] =	vst v12;
	v8 =	vmul.f32 v18, v20;
	v10 =	vmul.f32 v11, v10;
	v0 =	vsub.f32 $1.000000000e+00, v0  }
0x10f: {  	v3 =	vmul.f32 v3, v9;
	[tilespmem:s12+$0xFFFFFFE0] =	vst v2;
	v5 =	vsub.f32 $1.000000000e+00, v5;
	v6 =	vmul.f32 v7, v14  }
0x110: {  	[tilespmem:s12+$0xFFFFFFC0] =	vst v8;
	v1 =	vmul.f32 v1, v4;
	v7 =	vsub.f32 $1.000000000e+00, v10;
	v0 =	vmul.f32 v0, v13  }
0x111: {  	[tilespmem:s12+$0xFFFFFFF0] =	vst v3;
	v2 =	vmul.f32 v6, v5  }
0x112: {  	s3 =	sadd.s32 s9, s8;
	[tilespmem:s12+$0x0] =	vst v1;
	v0 =	vmul.f32 v0, v7  }
0x113: {  	s8 =	sshrl.u32 s3, $0x3;
	[tilespmem:s18+$0x10] =	vst v2  }
0x114: {  	p1 =	seq.s32 s20, $0x7;
	s3 =	sadd.s32 s6, s8;
	[tilespmem:s18+$0x20] =	vst v0  }
0x115: {  	[hbm4b:s3+s21] =	stream.strided.scatter [tilespmem:s28], [sflag:$0x3], $0x1000, s19, s21, $0x38;
	[tilespmem:$0x1C400] =	vst v63  }
0x116: {  	s3 =	sadd.s32 @!p1 $0x2, s17  }
0x117: {  	s10 =	sshrl.u32 @!p1 s3, $0x1  }
0x118: {  	s10 =	sadd.s32 @!p1 s7, s10  }
0x119: {  	s11 =	sshll.u32 @!p1 s10, $0xC  }
0x11a: {  	s11 =	sand.u32 @!p1 $0x1FFFF000, s11  }
0x11b: {  	s12 =	simm.s32 @!p1 $0x0;
	s17 =	simm.s32 @!p1 $0x400;
	s11 =	sadd.s32 @!p1 s1, s11  }
0x11c: {  	[tilespmem:s17], [sflag:$0x1] =	stream.linear.gather @!p1 [hbm4b:s11+s12], $0x4000, $0x38;
	[tilespmem:$0x1C400] =	vst v63  }
0x11d: {  	s18 =	simm.s32 @!p1 $0x8400;
	s3 =	sshll.u32 @!p1 s3, $0x3;
	s11 =	sshll.u32 @!p1 s10, $0xD  }
0x11e: {  	s3 =	sand.u32 @!p1 $0x70, s3;
	s10 =	sshll.u32 @!p1 s10, $0xA;
	s11 =	sand.u32 @!p1 $0x1FFFE000, s11  }
0x11f: {  	s3 =	sadd.s32 @!p1 s4, s3;
	s10 =	sand.u32 @!p1 $0xFFFE000, s10;
	s11 =	sadd.s32 @!p1 s2, s11  }
0x120: {  	[tilespmem:s18], [sflag:$0x1] =	stream.linear.gather @!p1 [hbm4b:s11+s12], $0x8000, $0x38;
	[tilespmem:$0x1C400] =	vst v63  }
0x121: {  	s3 =	sadd.s32 @!p1 s10, s3;
	s10 =	simm.s32 @!p1 $0x80;
	s11 =	simm.s32 @!p1 $0x18400  }
0x122: {  	[tilespmem:s11], [sflag:$0x1] =	stream.strided.gather @!p1 [hbm4b:s3+s10], $0x1000, s17, s10, $0x38;
	[tilespmem:$0x1C400] =	vst v63  }
0x123: {  	_ =	swait.ge [sflag:s29], $0x4000  }
0x124: {  	[sflag:s29] =	ssyncset.done $0x0  }
0x125: {  	[sflag:s29] =	ssyncadd.s32 $0xFFFFC000  }
0x126: {  	_ =	swait.ge [sflag:s29], $0x8000  }
0x127: {  	[sflag:s29] =	ssyncset.done $0x0  }
0x128: {  	[sflag:s29] =	ssyncadd.s32 $0xFFFF8000  }
0x129: {  	_ =	swait.ge [sflag:s29], $0x1000  }
0x12a: {  	[sflag:s29] =	ssyncset.done $0x0  }
0x12b: {  	s3 =	simm.s32 @!p0 $0x4;
	[sflag:s29] =	ssyncadd.s32 $0xFFFFF000  }
0x12c: {  	_ =	swait.ge @!p0 [sflag:s3], $0x1000  }
0x12d: {  	[sflag:s3] =	ssyncset.done @!p0 $0x0  }
0x12e: {  	[sflag:s3] =	ssyncadd.s32 @!p0 $0xFFFFF000  }
0x12f: {  	v1 =	vld [tilespmem:s22+$0x0]  }
0x130: {  	v2 =	vld [tilespmem:s22+$0x10]  }
0x131: {  	v3 =	vld [tilespmem:s22+$0x20]  }
0x132: {  	v4 =	vld [tilespmem:s22+$0x30]  }
0x133: {  	v5 =	vld [tilespmem:s22+$0x40]  }
0x134: {  	v6 =	vld [tilespmem:s22+$0x50]  }
0x135: {  	v7 =	vld [tilespmem:s22+$0x60]  }
0x136: {  	s31 =	simm.s32 $0x10600;
	v0 =	vld [tilespmem:s22+$0x70]  }
0x137: {  	v8 =	vld [tilespmem:s31+$0xFFFFFE70]  }
0x138: {  	s10 =	simm.s32 $0x4500;
	v9 =	vld [tilespmem:s31+$0xFFFFFEF0]  }
0x139: {  	v10 =	vld [tilespmem:s10+$0xFFFFFF70]  }
0x13a: {  	v11 =	vld [tilespmem:s31+$0xFFFFFF70]  }
0x13b: {  	v12 =	vld [tilespmem:s10+$0xFFFFFFF0]  }
0x13c: {  	v13 =	vld [tilespmem:s31+$0xFFFFFFF0]  }
0x13d: {  	v14 =	vld [tilespmem:s10+$0x70]  }
0x13e: {  	v15 =	vld [tilespmem:s31+$0x70]  }
0x13f: {  	v16 =	vld [tilespmem:s10+$0xF0]  }
0x140: {  	v17 =	vld [tilespmem:s31+$0xF0]  }
0x141: {  	s11 =	simm.s32 $0x19440;
	v18 =	vld [tilespmem:s31+$0x170]  }
0x142: {  	v19 =	vld [tilespmem:s11+$0x30]  }
0x143: {  	v20 =	vld [tilespmem:s31+$0x1F0]  }
0x144: {  	v21 =	vld [tilespmem:s31+$0xFFFFFE00]  }
0x145: {  	v25 =	vld [tilespmem:s31+$0xFFFFFE20]  }
0x146: {  	v26 =	vld [tilespmem:s31+$0xFFFFFEA0]  }
0x147: {  	v27 =	vld [tilespmem:s31+$0xFFFFFE30]  }
0x148: {  	v28 =	vld [tilespmem:s31+$0xFFFFFEB0]  }
0x149: {  	v31 =	vld [tilespmem:s31+$0xFFFFFF80]  }
0x14a: {  	v32 =	vld [tilespmem:s31+$0xFFFFFFA0]  }
0x14b: {  	v33 =	vld [tilespmem:s31+$0x0]  }
0x14c: {  	v34 =	vld [tilespmem:s31+$0x20];
	v8 =	vmul.f32 v8, v1;
	v9 =	vmul.f32 v9, v2  }
0x14d: {  	v22 =	vld [tilespmem:s31+$0xFFFFFE80];
	v11 =	vmul.f32 v11, v3;
	v10 =	vsub.f32 $1.000000000e+00, v10;
	v25 =	vmul.f32 v25, v1  }
0x14e: {  	v23 =	vld [tilespmem:s31+$0xFFFFFE10];
	v12 =	vsub.f32 $1.000000000e+00, v12;
	v26 =	vmul.f32 v26, v2;
	v27 =	vmul.f32 v27, v1  }
0x14f: {  	v24 =	vld [tilespmem:s31+$0xFFFFFE90];
	v14 =	vsub.f32 $1.000000000e+00, v14;
	v28 =	vmul.f32 v28, v2;
	v31 =	vmul.f32 v31, v4  }
0x150: {  	v29 =	vld [tilespmem:s31+$0xFFFFFEC0];
	v16 =	vsub.f32 $1.000000000e+00, v16;
	v32 =	vmul.f32 v32, v4;
	v33 =	vmul.f32 v33, v5  }
0x151: {  	v30 =	vld [tilespmem:s31+$0xFFFFFED0];
	v34 =	vmul.f32 v34, v5;
	v8 =	vsub.f32 $1.000000000e+00, v8;
	v10 =	vmul.f32 v12, v10  }
0x152: {  	v52 =	vld [tilespmem:s10+$0xFFFFFF90];
	v9 =	vsub.f32 $1.000000000e+00, v9;
	v12 =	vmul.f32 v18, v7;
	v14 =	vmul.f32 v16, v14  }
0x153: {  	v54 =	vld [tilespmem:s10+$0xA0];
	v16 =	vsub.f32 $1.000000000e+00, v19;
	v19 =	vmul.f32 v20, v0;
	v25 =	vsub.f32 $1.000000000e+00, v25  }
0x154: {  	v18 =	vld [tilespmem:s31+$0xFFFFFEE0];
	v26 =	vsub.f32 $1.000000000e+00, v26;
	v31 =	vsub.f32 $1.000000000e+00, v31;
	v8 =	vmul.f32 v9, v8  }
0x155: {  	v55 =	vld [tilespmem:s10+$0xFFFFFF30];
	v9 =	vsub.f32 $1.000000000e+00, v11;
	v11 =	vmul.f32 v13, v4;
	v10 =	vmul.f32 v14, v10  }
0x156: {  	v20 =	vld [tilespmem:s31+$0xFFFFFF10];
	v33 =	vsub.f32 $1.000000000e+00, v33;
	v14 =	vmul.f32 v21, v1;
	v21 =	vmul.f32 v22, v2  }
0x157: {  	v53 =	vsub.f32 $1.000000000e+00, v34;
	v13 =	vld [tilespmem:s31+$0xFFFFFE40];
	v25 =	vmul.f32 v26, v25;
	v8 =	vmul.f32 v9, v8  }
0x158: {  	v22 =	vld [tilespmem:s31+$0xFFFFFF30];
	v9 =	vsub.f32 $1.000000000e+00, v11;
	v11 =	vmul.f32 v15, v5;
	v10 =	vmul.f32 v10, v16  }
0x159: {  	v15 =	vld [tilespmem:s31+$0xFFFFFE50];
	v14 =	vsub.f32 $1.000000000e+00, v14;
	v21 =	vsub.f32 $1.000000000e+00, v21;
	v18 =	vmul.f32 v18, v2  }
0x15a: {  	v26 =	vld [tilespmem:s31+$0xFFFFFFD0];
	v8 =	vmul.f32 v9, v8;
	v9 =	vsub.f32 $1.000000000e+00, v11;
	v11 =	vmul.f32 v17, v6  }
0x15b: {  	v20 =	vmul.f32 v20, v3;
	v17 =	vld [tilespmem:s31+$0xFFFFFE60];
	v10 =	vsub.f32 $1.000000000e+00, v10;
	v14 =	vmul.f32 v21, v14  }
0x15c: {  	v21 =	vsub.f32 $1.000000000e+00, v27;
	v27 =	vld [tilespmem:s31+$0xFFFFFFB0];
	v8 =	vmul.f32 v9, v8;
	v9 =	vsub.f32 $1.000000000e+00, v11  }
0x15d: {  	v13 =	vmul.f32 v13, v1;
	v18 =	vsub.f32 $1.000000000e+00, v18;
	v20 =	vsub.f32 $1.000000000e+00, v20;
	v11 =	vld [tilespmem:s31+$0xFFFFFF00]  }
0x15e: {  	v35 =	vld [tilespmem:s10+$0xB0];
	v15 =	vmul.f32 v15, v1;
	v8 =	vmul.f32 v9, v8;
	v9 =	vsub.f32 $1.000000000e+00, v12  }
0x15f: {  	v22 =	vmul.f32 v22, v3;
	v26 =	vmul.f32 v26, v4;
	v13 =	vsub.f32 $1.000000000e+00, v13;
	v12 =	vld [tilespmem:s31+$0xFFFFFF20]  }
0x160: {  	v56 =	vld [tilespmem:s31+$0xC0];
	v15 =	vsub.f32 $1.000000000e+00, v15;
	v17 =	vmul.f32 v17, v1;
	v8 =	vmul.f32 v9, v8  }
0x161: {  	v57 =	vld [tilespmem:s10+$0xFFFFFF50];
	v9 =	vsub.f32 $1.000000000e+00, v19;
	v19 =	vmul.f32 v23, v1;
	v23 =	vmul.f32 v24, v2  }
0x162: {  	v16 =	vld [tilespmem:s31+$0xFFFFFF40];
	v27 =	vmul.f32 v27, v4;
	v11 =	vmul.f32 v11, v3;
	v17 =	vsub.f32 $1.000000000e+00, v17  }
0x163: {  	v59 =	vld [tilespmem:s10+$0xE0];
	v8 =	vmul.f32 v9, v8;
	v19 =	vsub.f32 $1.000000000e+00, v19;
	v23 =	vsub.f32 $1.000000000e+00, v23  }
0x164: {  	v24 =	vld [tilespmem:s31+$0xFFFFFF50];
	v11 =	vsub.f32 $1.000000000e+00, v11;
	v12 =	vmul.f32 v12, v3;
	v17 =	vmul.f32 v18, v17  }
0x165: {  	v9 =	vld [tilespmem:s31+$0xFFFFFF60];
	v19 =	vmul.f32 v23, v19;
	v23 =	vsub.f32 $1.000000000e+00, v28;
	v28 =	vmul.f32 v29, v2  }
0x166: {  	v18 =	vld [tilespmem:s31+$0x40];
	v8 =	vmul.f32 v8, v10;
	v14 =	vmul.f32 v11, v14;
	v11 =	vsub.f32 $1.000000000e+00, v12  }
0x167: {  	v10 =	vld [tilespmem:s31+$0xFFFFFF90];
	v12 =	vmul.f32 v16, v3;
	v21 =	vmul.f32 v23, v21;
	v23 =	vsub.f32 $1.000000000e+00, v28  }
0x168: {  	v29 =	vld [tilespmem:s31+$0xFFFFFFC0];
	v28 =	vmul.f32 v30, v2;
	v19 =	vmul.f32 v20, v19;
	v20 =	vsub.f32 $1.000000000e+00, v22  }
0x169: {  	v16 =	vld [tilespmem:s31+$0x50];
	v22 =	vmul.f32 v24, v3;
	v25 =	vmul.f32 v11, v25;
	v12 =	vsub.f32 $1.000000000e+00, v12  }
0x16a: {  	v30 =	vld [tilespmem:s31+$0xFFFFFFE0];
	v9 =	vmul.f32 v9, v3;
	v14 =	vmul.f32 v31, v14;
	v31 =	vsub.f32 $1.000000000e+00, v32  }
0x16b: {  	v24 =	vld [tilespmem:s31+$0x60];
	v32 =	vsub.f32 $1.000000000e+00, v52;
	v13 =	vmul.f32 v23, v13;
	v20 =	vmul.f32 v20, v21  }
0x16c: {  	v11 =	vld [tilespmem:s10+$0xFFFFFF80];
	v23 =	vsub.f32 $1.000000000e+00, v28;
	v18 =	vmul.f32 v18, v5;
	v10 =	vmul.f32 v10, v4  }
0x16d: {  	v28 =	vld [tilespmem:s31+$0x10];
	v21 =	vsub.f32 $1.000000000e+00, v22;
	v29 =	vmul.f32 v29, v4;
	v25 =	vmul.f32 v31, v25  }
0x16e: {  	v22 =	vld [tilespmem:s10+$0x0];
	v9 =	vsub.f32 $1.000000000e+00, v9;
	v14 =	vmul.f32 v33, v14;
	v15 =	vmul.f32 v23, v15  }
0x16f: {  	v31 =	vld [tilespmem:s10+$0x90];
	v12 =	vmul.f32 v12, v13;
	v16 =	vmul.f32 v16, v5;
	v18 =	vsub.f32 $1.000000000e+00, v18  }
0x170: {  	v23 =	vld [tilespmem:s31+$0x30];
	v10 =	vsub.f32 $1.000000000e+00, v10;
	v9 =	vmul.f32 v9, v17;
	v30 =	vmul.f32 v30, v4  }
0x171: {  	v13 =	vld [tilespmem:s10+$0x80];
	v29 =	vsub.f32 $1.000000000e+00, v29;
	v25 =	vmul.f32 v53, v25;
	v24 =	vmul.f32 v24, v5  }
0x172: {  	v17 =	vld [tilespmem:s10+$0xFFFFFF10];
	v15 =	vmul.f32 v21, v15;
	v10 =	vmul.f32 v10, v19;
	v19 =	vsub.f32 $1.000000000e+00, v27  }
0x173: {  	v21 =	vld [tilespmem:s31+$0x80];
	v16 =	vsub.f32 $1.000000000e+00, v16;
	v28 =	vmul.f32 v28, v5;
	v12 =	vmul.f32 v29, v12  }
0x174: {  	v27 =	vld [tilespmem:s10+$0x10];
	v29 =	vsub.f32 $1.000000000e+00, v30;
	v22 =	vsub.f32 $1.000000000e+00, v22;
	v19 =	vmul.f32 v19, v20  }
0x175: {  	v30 =	vld [tilespmem:s10+$0xFFFFFF20];
	v20 =	vsub.f32 $1.000000000e+00, v26;
	v28 =	vsub.f32 $1.000000000e+00, v28;
	v23 =	vmul.f32 v23, v5  }
0x176: {  	v26 =	vld [tilespmem:s31+$0x90];
	v9 =	vmul.f32 v29, v9;
	v12 =	vmul.f32 v18, v12;
	v18 =	vsub.f32 $1.000000000e+00, v24  }
0x177: {  	v29 =	vld [tilespmem:s10+$0x20];
	v13 =	vsub.f32 $1.000000000e+00, v13;
	v17 =	vsub.f32 $1.000000000e+00, v17;
	v15 =	vmul.f32 v20, v15  }
0x178: {  	v20 =	vld [tilespmem:s10+$0xFFFFFFA0];
	v10 =	vmul.f32 v28, v10;
	v23 =	vsub.f32 $1.000000000e+00, v23;
	v21 =	vmul.f32 v21, v6  }
0x179: {  	v28 =	vld [tilespmem:s31+$0xA0];
	v18 =	vmul.f32 v18, v9;
	v15 =	vmul.f32 v16, v15;
	v16 =	vsub.f32 $1.000000000e+00, v27  }
0x17a: {  	v24 =	vld [tilespmem:s10+$0x30];
	v13 =	vmul.f32 v13, v22;
	v27 =	vsub.f32 $1.000000000e+00, v31;
	v9 =	vsub.f32 $1.000000000e+00, v21  }
0x17b: {  	v17 =	vmul.f32 v32, v17;
	v19 =	vmul.f32 v23, v19;
	v23 =	vld [tilespmem:s10+$0xFFFFFFB0]  }
0x17c: {  	v22 =	vld [tilespmem:s10+$0xFFFFFFC0];
	v29 =	vsub.f32 $1.000000000e+00, v29;
	v16 =	vmul.f32 v27, v16;
	v14 =	vmul.f32 v9, v14  }
0x17d: {  	v31 =	vld [tilespmem:s31+$0xB0];
	v9 =	vmul.f32 v26, v6;
	v27 =	vsub.f32 $1.000000000e+00, v30;
	v20 =	vsub.f32 $1.000000000e+00, v20  }
0x17e: {  	v21 =	vld [tilespmem:s10+$0xFFFFFF40];
	v30 =	vsub.f32 $1.000000000e+00, v54;
	v28 =	vmul.f32 v28, v6;
	v16 =	vmul.f32 v16, v17  }
0x17f: {  	v26 =	vld [tilespmem:s10+$0x40];
	v9 =	vsub.f32 $1.000000000e+00, v9;
	v20 =	vmul.f32 v20, v27;
	v27 =	vsub.f32 $1.000000000e+00, v55  }
0x180: {  	v17 =	vld [tilespmem:s10+$0xC0];
	v29 =	vmul.f32 v30, v29;
	v28 =	vsub.f32 $1.000000000e+00, v28;
	v23 =	vsub.f32 $1.000000000e+00, v23  }
0x181: {  	v30 =	vld [tilespmem:s10+$0xFFFFFFD0];
	v58 =	vmul.f32 v9, v10;
	v9 =	vsub.f32 $1.000000000e+00, v24;
	v10 =	vsub.f32 $1.000000000e+00, v35  }
0x182: {  	v24 =	vld [tilespmem:s10+$0x50];
	v29 =	vmul.f32 v29, v20;
	v20 =	vmul.f32 v28, v25  }
0x183: {  	v25 =	vld [tilespmem:s10+$0xD0];
	v23 =	vmul.f32 v23, v27;
	v9 =	vmul.f32 v10, v9  }
0x184: {  	v22 =	vsub.f32 $1.000000000e+00, v22;
	v21 =	vsub.f32 $1.000000000e+00, v21;
	v27 =	vmul.f32 v31, v6;
	v10 =	vld [tilespmem:s31+$0xD0]  }
0x185: {  	v28 =	vld [tilespmem:s10+$0xFFFFFF60];
	v17 =	vsub.f32 $1.000000000e+00, v17;
	v31 =	vmul.f32 v9, v23;
	v9 =	vsub.f32 $1.000000000e+00, v26  }
0x186: {  	v21 =	vmul.f32 v22, v21;
	v22 =	vmul.f32 v56, v6;
	v23 =	vld [tilespmem:s10+$0xFFFFFFE0];
	v26 =	vsub.f32 $1.000000000e+00, v27  }
0x187: {  	v30 =	vsub.f32 $1.000000000e+00, v30;
	v27 =	vld [tilespmem:s10+$0x60];
	v9 =	vmul.f32 v17, v9;
	v17 =	vsub.f32 $1.000000000e+00, v57  }
0x188: {  	v26 =	vmul.f32 v26, v19;
	v19 =	vsub.f32 $1.000000000e+00, v24;
	v24 =	vsub.f32 $1.000000000e+00, v25;
	v25 =	vld [tilespmem:s31+$0xE0]  }
0x189: {  	v22 =	vsub.f32 $1.000000000e+00, v22;
	v10 =	vmul.f32 v10, v6;
	v9 =	vmul.f32 v9, v21;
	v21 =	vld [tilespmem:s10+$0xFFFFFF00]  }
0x18a: {  	v17 =	vmul.f32 v30, v17;
	v19 =	vmul.f32 v24, v19;
	v24 =	vld [tilespmem:s31+$0x100]  }
0x18b: {  	v12 =	vmul.f32 v22, v12;
	v22 =	vsub.f32 $1.000000000e+00, v28;
	v30 =	vld [tilespmem:s31+$0x110];
	v28 =	vsub.f32 $1.000000000e+00, v10  }
0x18c: {  	v23 =	vsub.f32 $1.000000000e+00, v23;
	v10 =	vmul.f32 v19, v17;
	v17 =	vsub.f32 $1.000000000e+00, v27;
	v19 =	vld [tilespmem:s31+$0x120]  }
0x18d: {  	v27 =	vmul.f32 v28, v15;
	v15 =	vsub.f32 $1.000000000e+00, v59;
	v28 =	vld [tilespmem:s31+$0x130];
	v25 =	vmul.f32 v25, v6  }
0x18e: {  	v11 =	vsub.f32 $1.000000000e+00, v11;
	v22 =	vmul.f32 v23, v22;
	v23 =	vld [tilespmem:s31+$0x140];
	v21 =	vsub.f32 $1.000000000e+00, v21  }
0x18f: {  	v15 =	vmul.f32 v15, v17;
	v17 =	vmul.f32 v24, v7;
	v24 =	vld [tilespmem:s31+$0x150];
	v25 =	vsub.f32 $1.000000000e+00, v25  }
0x190: {  	v11 =	vmul.f32 v11, v21;
	v21 =	vmul.f32 v30, v7;
	v30 =	vld [tilespmem:s31+$0x160]  }
0x191: {  	v18 =	vmul.f32 v25, v18;
	v25 =	vld [tilespmem:s11+$0xFFFFFFC0];
	v17 =	vsub.f32 $1.000000000e+00, v17;
	v19 =	vmul.f32 v19, v7  }
0x192: {  	v28 =	vmul.f32 v28, v7;
	v60 =	vmul.f32 v13, v11;
	v13 =	vld [tilespmem:s31+$0x180];
	v21 =	vsub.f32 $1.000000000e+00, v21  }
0x193: {  	v11 =	vmul.f32 v15, v22;
	v15 =	vld [tilespmem:s11+$0xFFFFFFD0];
	v19 =	vsub.f32 $1.000000000e+00, v19;
	v22 =	vmul.f32 v23, v7  }
0x194: {  	v61 =	vld [tilespmem:s31+$0x190];
	v23 =	vmul.f32 v17, v14;
	v14 =	vsub.f32 $1.000000000e+00, v28;
	v17 =	vmul.f32 v24, v7  }
0x195: {  	v24 =	vld [tilespmem:s11+$0xFFFFFFE0];
	v21 =	vmul.f32 v21, v58;
	v22 =	vsub.f32 $1.000000000e+00, v22;
	v28 =	vmul.f32 v30, v7  }
0x196: {  	v19 =	vmul.f32 v19, v20;
	v20 =	vld [tilespmem:s31+$0x1A0];
	v25 =	vsub.f32 $1.000000000e+00, v25;
	v30 =	vsub.f32 $1.000000000e+00, v17  }
0x197: {  	v62 =	vld [tilespmem:s11+$0xFFFFFFF0];
	v17 =	vmul.f32 v14, v26;
	v13 =	vmul.f32 v13, v0;
	v26 =	vsub.f32 $1.000000000e+00, v28  }
0x198: {  	v63 =	vld [tilespmem:s31+$0x1B0];
	v28 =	vsub.f32 $1.000000000e+00, v15;
	v15 =	vmul.f32 v22, v12;
	v14 =	vmul.f32 v30, v27  }
0x199: {  	v22 =	vmul.f32 v61, v0;
	v30 =	vld [tilespmem:s11+$0x0];
	v12 =	vsub.f32 $1.000000000e+00, v13;
	v13 =	vmul.f32 v26, v18  }
0x19a: {  	v27 =	vsub.f32 $1.000000000e+00, v24;
	v26 =	vmul.f32 v60, v25;
	v16 =	vmul.f32 v16, v28;
	v25 =	vld [tilespmem:s31+$0x1C0]  }
0x19b: {  	v24 =	vld [tilespmem:s11+$0x10];
	v18 =	vmul.f32 v12, v23;
	v12 =	vsub.f32 $1.000000000e+00, v22;
	v23 =	vmul.f32 v20, v0  }
0x19c: {  	v20 =	vsub.f32 $1.000000000e+00, v26;
	v26 =	vmul.f32 v29, v27;
	v29 =	vsub.f32 $1.000000000e+00, v62;
	v22 =	vld [tilespmem:s31+$0x1D0]  }
0x19d: {  	s12 =	simm.s32 $0x1B440;
	v28 =	vmul.f32 v63, v0;
	v12 =	vmul.f32 v12, v21;
	v27 =	vsub.f32 $1.000000000e+00, v23;
	v23 =	vld [tilespmem:s11+$0x20]  }
0x19e: {  	s18 =	simm.s32 $0x0;
	s17 =	simm.s32 $0x1B440;
	s3 =	simm.s32 $0x10A00;
	[tilespmem:s12+$0x30] =	vst v8;
	v8 =	vld [tilespmem:s31+$0x1E0];
	v21 =	vsub.f32 $1.000000000e+00, v16;
	v16 =	vmul.f32 v31, v29;
	v29 =	vsub.f32 $1.000000000e+00, v30  }
.LBB2_5:
0x19f: {  	v30 =	vld [tilespmem:s3+$0xFFFFFE70];
	v19 =	vmul.f32 v27, v19;
	v27 =	vsub.f32 $1.000000000e+00, v28;
	v25 =	vmul.f32 v25, v0  }
0x1a0: {  	s18 =	sadd.s32 $0x8, s18;
	v26 =	vsub.f32 $1.000000000e+00, v26;
	s10 =	sadd.s32 $0x200, s10;
	v28 =	vld [tilespmem:s3+$0xFFFFFEF0];
	v9 =	vmul.f32 v9, v29;
	v24 =	vsub.f32 $1.000000000e+00, v24  }
0x1a1: {  	p0 =	slt.u32 s18, $0xF8;
	v29 =	vld [tilespmem:s10+$0xFFFFFF70];
	v17 =	vmul.f32 v27, v17;
	v25 =	vsub.f32 $1.000000000e+00, v25;
	v22 =	vmul.f32 v22, v0  }
0x1a2: {  	v16 =	vsub.f32 $1.000000000e+00, v16;
	v27 =	vld [tilespmem:s3+$0xFFFFFF70];
	v10 =	vmul.f32 v10, v24;
	v23 =	vsub.f32 $1.000000000e+00, v23  }
0x1a3: {  	v24 =	vld [tilespmem:s10+$0xFFFFFFF0];
	v15 =	vmul.f32 v25, v15;
	v22 =	vsub.f32 $1.000000000e+00, v22;
	v25 =	vmul.f32 v8, v0  }
0x1a4: {  	v32 =	vsub.f32 $1.000000000e+00, v9;
	v31 =	vld [tilespmem:s3+$0xFFFFFFF0];
	v8 =	vsub.f32 $1.000000000e+00, v10;
	v9 =	vmul.f32 v11, v23  }
0x1a5: {  	v11 =	vmul.f32 v30, v1;
	v10 =	vld [tilespmem:s10+$0x70];
	v23 =	vmul.f32 v28, v2;
	v25 =	vsub.f32 $1.000000000e+00, v25  }
0x1a6: {  	v18 =	vmul.f32 v18, v20;
	v14 =	vmul.f32 v22, v14;
	v28 =	vld [tilespmem:s3+$0x70];
	v9 =	vsub.f32 $1.000000000e+00, v9  }
0x1a7: {  	v11 =	vsub.f32 $1.000000000e+00, v11;
	v20 =	vld [tilespmem:s10+$0xF0];
	v22 =	vsub.f32 $1.000000000e+00, v23;
	v23 =	vmul.f32 v27, v3  }
0x1a8: {  	v12 =	vmul.f32 v12, v21;
	v13 =	vmul.f32 v25, v13;
	v27 =	vld [tilespmem:s3+$0xF0];
	[tilespmem:s12+$0xFFFFFFC0] =	vst v18  }
0x1a9: {  	s11 =	sadd.s32 $0x80, s11;
	v11 =	vmul.f32 v22, v11;
	v18 =	vsub.f32 $1.000000000e+00, v23;
	v21 =	vmul.f32 v31, v4;
	v22 =	vld [tilespmem:s3+$0x170]  }
0x1aa: {  	v24 =	vsub.f32 $1.000000000e+00, v24;
	v23 =	vsub.f32 $1.000000000e+00, v29;
	v25 =	vld [tilespmem:s11+$0x30];
	[tilespmem:s12+$0xFFFFFFD0] =	vst v12;
	v12 =	vmul.f32 v19, v26  }
0x1ab: {  	v11 =	vmul.f32 v18, v11;
	v18 =	vsub.f32 $1.000000000e+00, v21;
	v19 =	vmul.f32 v28, v5;
	v21 =	vld [tilespmem:s3+$0x1F0]  }
0x1ac: {  	v10 =	vsub.f32 $1.000000000e+00, v10;
	v26 =	vld [tilespmem:s3+$0xFFFFFE00];
	v20 =	vsub.f32 $1.000000000e+00, v20;
	[tilespmem:s12+$0xFFFFFFE0] =	vst v12;
	v12 =	vmul.f32 v17, v16  }
0x1ad: {  	v16 =	vld [tilespmem:s3+$0xFFFFFE80];
	v11 =	vmul.f32 v18, v11;
	v17 =	vsub.f32 $1.000000000e+00, v19;
	v18 =	vmul.f32 v27, v6  }
0x1ae: {  	v23 =	vmul.f32 v24, v23;
	v19 =	vld [tilespmem:s3+$0xFFFFFE10];
	v22 =	vmul.f32 v22, v7;
	[tilespmem:s12+$0xFFFFFFF0] =	vst v12  }
0x1af: {  	v10 =	vmul.f32 v20, v10;
	v12 =	vld [tilespmem:s3+$0xFFFFFE90];
	v11 =	vmul.f32 v17, v11;
	v17 =	vsub.f32 $1.000000000e+00, v18  }
0x1b0: {  	v15 =	vmul.f32 v15, v32;
	v20 =	vsub.f32 $1.000000000e+00, v25;
	v18 =	vld [tilespmem:s3+$0xFFFFFE20];
	v21 =	vmul.f32 v21, v0  }
0x1b1: {  	v10 =	vmul.f32 v10, v23;
	v24 =	vld [tilespmem:s3+$0xFFFFFEA0];
	v11 =	vmul.f32 v17, v11;
	v17 =	vsub.f32 $1.000000000e+00, v22  }
0x1b2: {  	v22 =	vmul.f32 v26, v1;
	v16 =	vmul.f32 v16, v2;
	v23 =	vld [tilespmem:s3+$0xFFFFFE30];
	[tilespmem:s12+$0x0] =	vst v15  }
0x1b3: {  	v10 =	vmul.f32 v10, v20;
	v15 =	vld [tilespmem:s3+$0xFFFFFEB0];
	v11 =	vmul.f32 v17, v11;
	v17 =	vsub.f32 $1.000000000e+00, v21  }
0x1b4: {  	v20 =	vsub.f32 $1.000000000e+00, v22;
	v19 =	vmul.f32 v19, v1;
	v12 =	vmul.f32 v12, v2;
	v21 =	vld [tilespmem:s3+$0xFFFFFE40]  }
0x1b5: {  	v10 =	vsub.f32 $1.000000000e+00, v10;
	v18 =	vmul.f32 v18, v1;
	v22 =	vld [tilespmem:s3+$0xFFFFFEC0];
	v11 =	vmul.f32 v17, v11  }
0x1b6: {  	v16 =	vsub.f32 $1.000000000e+00, v16;
	v17 =	vsub.f32 $1.000000000e+00, v19;
	v19 =	vmul.f32 v24, v2;
	v24 =	vld [tilespmem:s3+$0xFFFFFE50]  }
0x1b7: {  	v12 =	vsub.f32 $1.000000000e+00, v12;
	v23 =	vmul.f32 v23, v1;
	v25 =	vld [tilespmem:s3+$0xFFFFFED0];
	v10 =	vmul.f32 v11, v10  }
0x1b8: {  	s12 =	sadd.s32 $0x80, s12;
	v11 =	vsub.f32 $1.000000000e+00, v18;
	v18 =	vsub.f32 $1.000000000e+00, v19;
	v15 =	vmul.f32 v15, v2;
	v19 =	vld [tilespmem:s3+$0xFFFFFE60]  }
0x1b9: {  	v16 =	vmul.f32 v16, v20;
	v20 =	vsub.f32 $1.000000000e+00, v23;
	v21 =	vmul.f32 v21, v1;
	v23 =	vld [tilespmem:s3+$0xFFFFFEE0];
	[tilespmem:s12+$0x30] =	vst v10  }
0x1ba: {  	v12 =	vmul.f32 v12, v17;
	v10 =	vld [tilespmem:s3+$0xFFFFFF00];
	v15 =	vsub.f32 $1.000000000e+00, v15;
	v17 =	vmul.f32 v22, v2  }
0x1bb: {  	v11 =	vmul.f32 v18, v11;
	v22 =	vld [tilespmem:s3+$0xFFFFFF10];
	v18 =	vsub.f32 $1.000000000e+00, v21;
	v21 =	vmul.f32 v24, v1  }
0x1bc: {  	v24 =	vld [tilespmem:s3+$0xFFFFFF20];
	v15 =	vmul.f32 v15, v20;
	v17 =	vsub.f32 $1.000000000e+00, v17;
	v20 =	vmul.f32 v25, v2  }
0x1bd: {  	v8 =	vmul.f32 v14, v8;
	v25 =	vld [tilespmem:s3+$0xFFFFFF30];
	v21 =	vsub.f32 $1.000000000e+00, v21;
	v19 =	vmul.f32 v19, v1  }
0x1be: {  	v14 =	vmul.f32 v17, v18;
	v17 =	vld [tilespmem:s3+$0xFFFFFF40];
	v18 =	vsub.f32 $1.000000000e+00, v20;
	v20 =	vmul.f32 v23, v2  }
0x1bf: {  	v10 =	vmul.f32 v10, v3;
	v23 =	vld [tilespmem:s3+$0xFFFFFF50];
	v19 =	vsub.f32 $1.000000000e+00, v19;
	[tilespmem:s17+$0x10] =	vst v8;
	v8 =	vmul.f32 v13, v9  }
0x1c0: {  	v9 =	vmul.f32 v22, v3;
	v13 =	vmul.f32 v18, v21;
	v18 =	vsub.f32 $1.000000000e+00, v20;
	v20 =	vld [tilespmem:s3+$0xFFFFFF60]  }
0x1c1: {  	v10 =	vsub.f32 $1.000000000e+00, v10;
	v21 =	vld [tilespmem:s3+$0xFFFFFF80];
	v22 =	vmul.f32 v24, v3;
	[tilespmem:s17+$0x20] =	vst v8;
	s17 =	smov.u32 s12  }
0x1c2: {  	v8 =	vsub.f32 $1.000000000e+00, v9;
	v9 =	vld [tilespmem:s3+$0xFFFFFF90];
	v24 =	vmul.f32 v25, v3;
	v18 =	vmul.f32 v18, v19  }
0x1c3: {  	v10 =	vmul.f32 v10, v16;
	v16 =	vsub.f32 $1.000000000e+00, v22;
	v19 =	vld [tilespmem:s3+$0xFFFFFFA0];
	v17 =	vmul.f32 v17, v3  }
0x1c4: {  	v8 =	vmul.f32 v8, v12;
	v12 =	vsub.f32 $1.000000000e+00, v24;
	v22 =	vld [tilespmem:s3+$0xFFFFFFB0];
	v23 =	vmul.f32 v23, v3  }
0x1c5: {  	v11 =	vmul.f32 v16, v11;
	v16 =	vsub.f32 $1.000000000e+00, v17;
	v17 =	vld [tilespmem:s3+$0xFFFFFFC0];
	v20 =	vmul.f32 v20, v3  }
0x1c6: {  	v21 =	vmul.f32 v21, v4;
	v12 =	vmul.f32 v12, v15;
	v15 =	vsub.f32 $1.000000000e+00, v23;
	v23 =	vld [tilespmem:s3+$0xFFFFFFD0]  }
0x1c7: {  	v9 =	vmul.f32 v9, v4;
	v14 =	vmul.f32 v16, v14;
	v16 =	vsub.f32 $1.000000000e+00, v20;
	v20 =	vld [tilespmem:s3+$0xFFFFFFE0]  }
0x1c8: {  	v21 =	vsub.f32 $1.000000000e+00, v21;
	v24 =	vld [tilespmem:s3+$0x0];
	v19 =	vmul.f32 v19, v4;
	v13 =	vmul.f32 v15, v13  }
0x1c9: {  	v9 =	vsub.f32 $1.000000000e+00, v9;
	v15 =	vld [tilespmem:s3+$0x10];
	v22 =	vmul.f32 v22, v4;
	v16 =	vmul.f32 v16, v18  }
0x1ca: {  	v10 =	vmul.f32 v21, v10;
	v18 =	vsub.f32 $1.000000000e+00, v19;
	v19 =	vld [tilespmem:s3+$0x20];
	v17 =	vmul.f32 v17, v4  }
0x1cb: {  	v8 =	vmul.f32 v9, v8;
	v9 =	vsub.f32 $1.000000000e+00, v22;
	v21 =	vld [tilespmem:s3+$0x30];
	v22 =	vmul.f32 v23, v4  }
0x1cc: {  	v11 =	vmul.f32 v18, v11;
	v17 =	vsub.f32 $1.000000000e+00, v17;
	v18 =	vld [tilespmem:s3+$0x40];
	v20 =	vmul.f32 v20, v4  }
0x1cd: {  	v23 =	vmul.f32 v24, v5;
	v9 =	vmul.f32 v9, v12;
	v12 =	vsub.f32 $1.000000000e+00, v22;
	v22 =	vld [tilespmem:s3+$0x50]  }
0x1ce: {  	v15 =	vmul.f32 v15, v5;
	v14 =	vmul.f32 v17, v14;
	v17 =	vsub.f32 $1.000000000e+00, v20;
	v20 =	vld [tilespmem:s3+$0x60]  }
0x1cf: {  	v24 =	vld [tilespmem:s10+$0xFFFFFF80];
	v23 =	vsub.f32 $1.000000000e+00, v23;
	v19 =	vmul.f32 v19, v5;
	v12 =	vmul.f32 v12, v13  }
0x1d0: {  	v13 =	vld [tilespmem:s10+$0x0];
	v15 =	vsub.f32 $1.000000000e+00, v15;
	v21 =	vmul.f32 v21, v5;
	v16 =	vmul.f32 v17, v16  }
0x1d1: {  	v17 =	vld [tilespmem:s10+$0x80];
	v10 =	vmul.f32 v23, v10;
	v19 =	vsub.f32 $1.000000000e+00, v19;
	v18 =	vmul.f32 v18, v5  }
0x1d2: {  	v23 =	vld [tilespmem:s3+$0x80];
	v25 =	vmul.f32 v15, v8;
	v8 =	vsub.f32 $1.000000000e+00, v21;
	v15 =	vmul.f32 v22, v5  }
0x1d3: {  	v21 =	vld [tilespmem:s10+$0xFFFFFF10];
	v19 =	vmul.f32 v19, v11;
	v18 =	vsub.f32 $1.000000000e+00, v18;
	v20 =	vmul.f32 v20, v5  }
0x1d4: {  	v11 =	vsub.f32 $1.000000000e+00, v24;
	v22 =	vld [tilespmem:s10+$0xFFFFFF90];
	v9 =	vmul.f32 v8, v9;
	v8 =	vsub.f32 $1.000000000e+00, v15  }
0x1d5: {  	v13 =	vsub.f32 $1.000000000e+00, v13;
	v15 =	vld [tilespmem:s10+$0x10];
	v18 =	vmul.f32 v18, v14;
	v14 =	vsub.f32 $1.000000000e+00, v20  }
0x1d6: {  	v17 =	vsub.f32 $1.000000000e+00, v17;
	v20 =	vld [tilespmem:s10+$0x90];
	v24 =	vmul.f32 v8, v12  }
0x1d7: {  	v8 =	vmul.f32 v23, v6;
	v12 =	vld [tilespmem:s3+$0x90];
	v14 =	vmul.f32 v14, v16  }
0x1d8: {  	v13 =	vmul.f32 v17, v13;
	v16 =	vsub.f32 $1.000000000e+00, v21;
	v17 =	vld [tilespmem:s10+$0xFFFFFF20]  }
0x1d9: {  	v8 =	vsub.f32 $1.000000000e+00, v8;
	v21 =	vsub.f32 $1.000000000e+00, v22;
	v22 =	vld [tilespmem:s10+$0xFFFFFFA0]  }
0x1da: {  	v23 =	vsub.f32 $1.000000000e+00, v15;
	v26 =	vld [tilespmem:s10+$0x20]  }
0x1db: {  	v15 =	vmul.f32 v8, v10;
	v8 =	vmul.f32 v21, v16;
	v10 =	vsub.f32 $1.000000000e+00, v20;
	v16 =	vld [tilespmem:s10+$0xA0]  }
0x1dc: {  	v12 =	vmul.f32 v12, v6;
	v20 =	vld [tilespmem:s3+$0xA0]  }
0x1dd: {  	v10 =	vmul.f32 v10, v23;
	v17 =	vsub.f32 $1.000000000e+00, v17;
	v21 =	vld [tilespmem:s10+$0xFFFFFF30]  }
0x1de: {  	v12 =	vsub.f32 $1.000000000e+00, v12;
	v22 =	vsub.f32 $1.000000000e+00, v22;
	v23 =	vld [tilespmem:s10+$0xFFFFFFB0]  }
0x1df: {  	v8 =	vmul.f32 v10, v8;
	v10 =	vsub.f32 $1.000000000e+00, v26;
	v26 =	vld [tilespmem:s10+$0x30]  }
0x1e0: {  	v25 =	vmul.f32 v12, v25;
	v12 =	vmul.f32 v22, v17;
	v16 =	vsub.f32 $1.000000000e+00, v16;
	v17 =	vld [tilespmem:s10+$0xB0]  }
0x1e1: {  	v20 =	vmul.f32 v20, v6;
	v22 =	vld [tilespmem:s3+$0xB0]  }
0x1e2: {  	v10 =	vmul.f32 v16, v10;
	v16 =	vsub.f32 $1.000000000e+00, v21;
	v21 =	vld [tilespmem:s10+$0xFFFFFF40]  }
0x1e3: {  	v20 =	vsub.f32 $1.000000000e+00, v20;
	v23 =	vsub.f32 $1.000000000e+00, v23;
	v27 =	vld [tilespmem:s10+$0xFFFFFFC0]  }
0x1e4: {  	v12 =	vmul.f32 v10, v12;
	v10 =	vsub.f32 $1.000000000e+00, v26;
	v26 =	vld [tilespmem:s10+$0x40]  }
0x1e5: {  	v19 =	vmul.f32 v20, v19;
	v16 =	vmul.f32 v23, v16;
	v17 =	vsub.f32 $1.000000000e+00, v17;
	v20 =	vld [tilespmem:s10+$0xC0]  }
0x1e6: {  	v22 =	vmul.f32 v22, v6;
	v23 =	vld [tilespmem:s3+$0xC0]  }
0x1e7: {  	v10 =	vmul.f32 v17, v10;
	v17 =	vsub.f32 $1.000000000e+00, v21;
	v21 =	vld [tilespmem:s10+$0xFFFFFF50]  }
0x1e8: {  	v22 =	vsub.f32 $1.000000000e+00, v22;
	v27 =	vsub.f32 $1.000000000e+00, v27;
	v28 =	vld [tilespmem:s10+$0xFFFFFFD0]  }
0x1e9: {  	v16 =	vmul.f32 v10, v16;
	v10 =	vsub.f32 $1.000000000e+00, v26;
	v26 =	vld [tilespmem:s10+$0x50]  }
0x1ea: {  	v22 =	vmul.f32 v22, v9;
	v9 =	vmul.f32 v27, v17;
	v17 =	vsub.f32 $1.000000000e+00, v20;
	v20 =	vld [tilespmem:s10+$0xD0]  }
0x1eb: {  	v23 =	vmul.f32 v23, v6;
	v27 =	vld [tilespmem:s3+$0xD0]  }
0x1ec: {  	v10 =	vmul.f32 v17, v10;
	v17 =	vsub.f32 $1.000000000e+00, v21;
	v21 =	vld [tilespmem:s10+$0xFFFFFF60]  }
0x1ed: {  	v23 =	vsub.f32 $1.000000000e+00, v23;
	v28 =	vsub.f32 $1.000000000e+00, v28;
	v29 =	vld [tilespmem:s10+$0xFFFFFFE0]  }
0x1ee: {  	v9 =	vmul.f32 v10, v9;
	v10 =	vsub.f32 $1.000000000e+00, v26;
	v26 =	vld [tilespmem:s10+$0x60]  }
0x1ef: {  	v18 =	vmul.f32 v23, v18;
	v17 =	vmul.f32 v28, v17;
	v20 =	vsub.f32 $1.000000000e+00, v20;
	v23 =	vld [tilespmem:s10+$0xE0]  }
0x1f0: {  	v27 =	vmul.f32 v27, v6;
	v28 =	vld [tilespmem:s3+$0xE0]  }
0x1f1: {  	v30 =	vld [tilespmem:s10+$0xFFFFFF00];
	v10 =	vmul.f32 v20, v10;
	v20 =	vsub.f32 $1.000000000e+00, v21  }
0x1f2: {  	v21 =	vld [tilespmem:s3+$0x100];
	v27 =	vsub.f32 $1.000000000e+00, v27;
	v29 =	vsub.f32 $1.000000000e+00, v29  }
0x1f3: {  	v31 =	vld [tilespmem:s3+$0x110];
	v10 =	vmul.f32 v10, v17;
	v17 =	vsub.f32 $1.000000000e+00, v26  }
0x1f4: {  	v26 =	vld [tilespmem:s3+$0x120];
	v24 =	vmul.f32 v27, v24;
	v20 =	vmul.f32 v29, v20;
	v23 =	vsub.f32 $1.000000000e+00, v23  }
0x1f5: {  	v27 =	vld [tilespmem:s3+$0x130];
	v28 =	vmul.f32 v28, v6  }
0x1f6: {  	v29 =	vsub.f32 $1.000000000e+00, v30;
	v30 =	vld [tilespmem:s3+$0x140];
	v17 =	vmul.f32 v23, v17  }
0x1f7: {  	v21 =	vmul.f32 v21, v7;
	v23 =	vld [tilespmem:s3+$0x150];
	v28 =	vsub.f32 $1.000000000e+00, v28  }
0x1f8: {  	v11 =	vmul.f32 v11, v29;
	v29 =	vmul.f32 v31, v7;
	v31 =	vld [tilespmem:s3+$0x160]  }
0x1f9: {  	v32 =	vld [tilespmem:s11+$0xFFFFFFC0];
	v21 =	vsub.f32 $1.000000000e+00, v21;
	v26 =	vmul.f32 v26, v7;
	v28 =	vmul.f32 v28, v14  }
0x1fa: {  	v33 =	vmul.f32 v13, v11;
	v13 =	vld [tilespmem:s3+$0x180];
	v14 =	vsub.f32 $1.000000000e+00, v29;
	v27 =	vmul.f32 v27, v7  }
0x1fb: {  	v11 =	vmul.f32 v17, v20;
	v29 =	vld [tilespmem:s11+$0xFFFFFFD0];
	v26 =	vsub.f32 $1.000000000e+00, v26;
	v30 =	vmul.f32 v30, v7  }
0x1fc: {  	v20 =	vmul.f32 v21, v15;
	v21 =	vld [tilespmem:s3+$0x190];
	v15 =	vsub.f32 $1.000000000e+00, v27;
	v17 =	vmul.f32 v23, v7  }
0x1fd: {  	v23 =	vmul.f32 v14, v25;
	v25 =	vld [tilespmem:s11+$0xFFFFFFE0];
	v14 =	vsub.f32 $1.000000000e+00, v30;
	v27 =	vmul.f32 v31, v7  }
0x1fe: {  	v19 =	vmul.f32 v26, v19;
	v30 =	vsub.f32 $1.000000000e+00, v32;
	v26 =	vld [tilespmem:s3+$0x1A0];
	v31 =	vsub.f32 $1.000000000e+00, v17  }
0x1ff: {  	v17 =	vmul.f32 v15, v22;
	v13 =	vmul.f32 v13, v0;
	v32 =	vld [tilespmem:s11+$0xFFFFFFF0];
	v22 =	vsub.f32 $1.000000000e+00, v27  }
0x200: {  	v15 =	vmul.f32 v14, v18;
	v27 =	vsub.f32 $1.000000000e+00, v29;
	v29 =	vld [tilespmem:s3+$0x1B0];
	v14 =	vmul.f32 v31, v24  }
0x201: {  	v18 =	vsub.f32 $1.000000000e+00, v13;
	v21 =	vmul.f32 v21, v0;
	v31 =	vld [tilespmem:s11+$0x0];
	v13 =	vmul.f32 v22, v28  }
.Ltmp1:
0x202: {  	v22 =	vmul.f32 v33, v30;
	v8 =	vmul.f32 v8, v27;
	v27 =	vsub.f32 $1.000000000e+00, v25;
	v25 =	vld [tilespmem:s3+$0x1C0];
	(pc) =	sbr.rel @p0 .LBB2_5-.Ltmp1, $4  }
0x203: {  	v18 =	vmul.f32 v18, v20;
	v21 =	vsub.f32 $1.000000000e+00, v21;
	v28 =	vmul.f32 v26, v0;
	v24 =	vld [tilespmem:s11+$0x10]  }
0x204: {  	v20 =	vsub.f32 $1.000000000e+00, v22;
	v26 =	vmul.f32 v12, v27;
	v30 =	vsub.f32 $1.000000000e+00, v32;
	v22 =	vld [tilespmem:s3+$0x1D0]  }
0x205: {  	v12 =	vmul.f32 v21, v23;
	v27 =	vsub.f32 $1.000000000e+00, v28;
	v28 =	vmul.f32 v29, v0;
	v23 =	vld [tilespmem:s11+$0x20]  }
0x206: {  	v21 =	vsub.f32 $1.000000000e+00, v8;
	v16 =	vmul.f32 v16, v30;
	v29 =	vsub.f32 $1.000000000e+00, v31;
	v8 =	vld [tilespmem:s3+$0x1E0];
	s3 =	sadd.s32 $0x400, s3  }
0x207: {  	v1 =	vmul.f32 v25, v0;
	v2 =	vmul.f32 v27, v19;
	v3 =	vsub.f32 $1.000000000e+00, v28  }
0x208: {  	v6 =	vsub.f32 $1.000000000e+00, v26;
	v60 =	vmul.f32 v18, v20;
	v4 =	vmul.f32 v9, v29  }
0x209: {  	v5 =	vsub.f32 $1.000000000e+00, v24;
	v57 =	vsub.f32 $1.000000000e+00, v16;
	v12 =	vmul.f32 v12, v21  }
0x20a: {  	v1 =	vsub.f32 $1.000000000e+00, v1;
	v3 =	vmul.f32 v3, v17;
	v7 =	vmul.f32 v22, v0  }
0x20b: {  	v2 =	vmul.f32 v2, v6;
	v58 =	vsub.f32 $1.000000000e+00, v23;
	v59 =	vmul.f32 v8, v0  }
0x20c: {  	v5 =	vmul.f32 v10, v5;
	v4 =	vsub.f32 $1.000000000e+00, v4;
	v7 =	vsub.f32 $1.000000000e+00, v7  }
0x20d: {  	[tilespmem:s12+$0xFFFFFFC0] =	vst v60;
	v1 =	vmul.f32 v1, v15;
	v10 =	vmul.f32 v11, v58;
	v0 =	vsub.f32 $1.000000000e+00, v59  }
0x20e: {  	s20 =	sadd.s32 $0x1, s20;
	[tilespmem:s12+$0xFFFFFFD0] =	vst v12;
	v3 =	vmul.f32 v3, v57;
	v5 =	vsub.f32 $1.000000000e+00, v5;
	v61 =	vmul.f32 v7, v14  }
0x20f: {  	p0 =	sne.s32 s20, $0x8;
	[tilespmem:s12+$0xFFFFFFE0] =	vst v2;
	v1 =	vmul.f32 v1, v4;
	v62 =	vsub.f32 $1.000000000e+00, v10;
	v0 =	vmul.f32 v0, v13  }
.Ltmp2:
0x210: {  	[tilespmem:s12+$0xFFFFFFF0] =	vst v3;
	v63 =	vmul.f32 v61, v5;
	(pc) =	sbr.rel @p0 .LBB2_2-.Ltmp2, $4  }
0x211: {  	[tilespmem:s12+$0x0] =	vst v1;
	v0 =	vmul.f32 v0, v62  }
0x212: {  	[tilespmem:s17+$0x10] =	vst v63  }
0x213: {  	s3 =	sadd.s32 s8, s16;
	[tilespmem:s17+$0x20] =	vst v0  }
0x214: {  	[hbm4b:s3+s21] =	stream.strided.scatter [tilespmem:s30], [sflag:$0x4], $0x1000, s19, s21, $0x38;
	[tilespmem:$0x1C400] =	vst v63  }
0x215: {  	s3 =	simm.s32 $0x3  }
0x216: {  	_ =	swait.ge [sflag:s3], $0x1000  }
0x217: {  	[sflag:s3] =	ssyncset.done $0x0  }
0x218: {  	s8 =	simm.s32 $0x4;
	[sflag:s3] =	ssyncadd.s32 $0xFFFFF000  }
0x219: {  	_ =	swait.ge [sflag:s8], $0x1000  }
0x21a: {  	s0 =	sadd.s32 $0x1, s0;
	s31 =	rddreg [dreg:$0x9]  }
0x21b: {  	p0 =	sne.s32 s0, s31  }
.Ltmp3:
0x21c: {  	_ = 	snop;
	(pc) =	sbr.rel @p0 .LBB2_1-.Ltmp3, $3  }
0x21d: {  	_ =	sdelay $0x1  }
0x21e: {  	[sflag:s8] =	ssyncset.done $0x0  }
0x21f: {  	[sflag:s8] =	ssyncadd.s32 $0xFFFFF000  }
0x220: {  	_ =	sfence.sel $0x180000  }
0x221: {  	[bflag:$0x0] =	sbarrier.arrive $0xFFFF  }
0x222: {  	_ =	strace $0x90000047  }
0x223: {  	s0 =	stileid.u32;
	[bflag:$0x2] =	sbarrier.arrive $0xFFFF  }
0x224: {  	p0 =	sne.s32 s0, $0x0;
	s0 =	rddreg [dreg:$0x4]  }
0x225: {  	s0 =	sadd.s32 @!p0 $0x100000, s0  }
0x226: {  	[sflag:s0] =	ssyncadd.tile.s32 @!p0 $0x1;
	_ =	shalt  }
.Lfunc_end2:
_tile_overlayer_lowered:
.L_overlay_start_2:
0x227: {  	(tag) =	ssettag $0x2  }
0x228: {  	s0 =	rddreg [dreg:$0x0];
	s2 =	stileid.u32  }
0x229: {  	s1 =	rddreg [dreg:$0x1];
	p0 =	sne.s32 s2, $0x0  }
0x22a: {  	s3 =	rddreg [dreg:$0x2];
	[bflag:$0x3] =	sbarrier.arrive $0xFFFF;
	s2 =	simm.s32 @!p0 $0x1C05  }
0x22b: {  	[timem:s3], [sflag:s2] =	dma.local @!p0 [hbm:s0], s1  }
0x22c: {  	s0 =	simm.s32 @!p0 $0x5  }
0x22d: {  	_ =	swait.ge @!p0 [sflag:s0], s1  }
0x22e: {  	s1 =	ssub.s32 @!p0 $0x0, s1;
	[sflag:s0] =	ssyncset.done @!p0 $0x0  }
0x22f: {  	[sflag:s0] =	ssyncadd.s32 @!p0 s1  }
0x230: {  	[bflag:$0x3] =	sbarrier.arrive $0xFFFF  }
0x231: {  	_ =	shalt  }

</sc_bundles>
